<compile_context>
chip_gen: v7x
topology: tpu7x:2x2x1
jax: 0.10.2.dev20260603
libtpu: 0.0.44.dev20260713+nightly
codegen_flags: <defaults>
</compile_context>

<pallas_src>
import functools

import jax
import jax.numpy as jnp
from jax import lax
from jax.experimental import pallas as pl
from jax.experimental.pallas import tpu as pltpu
from jax.experimental.pallas import tpu_sc as plsc

D = 128
N_SEG = 200
N = 4096 * 200
NC, NS, L = 2, 16, 16
NW = NC * NS
ROWS_PER_W = N // NW
K = 128
N_CHUNKS = ROWS_PER_W // K
NBUF = 5


def _prep_body(seg_ref, st_ref, segtab_ref, sttab_ref, ctab_ref, cidx_ref):
    ctab_ref[0:N_SEG, :] = segtab_ref[...] + sttab_ref[0:1, :]
    ctab_ref[N_SEG:2 * N_SEG, :] = segtab_ref[...] + sttab_ref[1:2, :]
    cidx_ref[...] = st_ref[...] * N_SEG + seg_ref[...]


def _prep(segment, strand, segment_table, strand_table):
    return pl.pallas_call(
        _prep_body,
        out_shape=(
            jax.ShapeDtypeStruct((2 * N_SEG, D), jnp.float32),
            jax.ShapeDtypeStruct(segment.shape, jnp.int32),
        ),
    )(segment, strand, segment_table, strand_table)


def _sc_body(x_hbm, cidx_hbm, tab_hbm, ctab_hbm, out_hbm, csh, *rest):
    wid = lax.axis_index("s") * NC + lax.axis_index("c")
    row0 = wid * ROWS_PER_W
    xb = rest[0:NBUF]
    cb = rest[NBUF:2 * NBUF]
    toks = rest[2 * NBUF:3 * NBUF]
    semi = rest[3 * NBUF:4 * NBUF]
    semg = rest[4 * NBUF:5 * NBUF]
    sema = rest[5 * NBUF:6 * NBUF]
    semo = rest[6 * NBUF:7 * NBUF]

    @pl.when(lax.axis_index("s") == 0)
    def _stage_ctab():
        pltpu.sync_copy(ctab_hbm, csh)

    plsc.subcore_barrier()

    def idx_copies(g, b):
        sl = pl.ds(row0 + g * K, K)
        return (pltpu.make_async_copy(x_hbm.at[sl], xb[b], semi[b]),
                pltpu.make_async_copy(cidx_hbm.at[sl], cb[b], semi[b]))

    def issue_idx(g, b):
        for cp in idx_copies(g, b):
            cp.start()

    def tok_copy(b):
        return pltpu.make_async_copy(tab_hbm.at[xb[b]], toks[b], semg[b])

    def add_copy(b):
        return pltpu.make_async_copy(csh.at[cb[b]], toks[b], sema[b])

    def out_copy(g, b):
        return pltpu.make_async_copy(
            toks[b], out_hbm.at[pl.ds(row0 + g * K, K)], semo[b])

    def launch_tok(g, b):
        for cp in idx_copies(g, b):
            cp.wait()
        tok_copy(b).start()

    for j in range(NBUF - 1):
        issue_idx(j, j)
    launch_tok(0, 0)
    launch_tok(1, 1)
    launch_tok(2, 2)

    def step(i, carry):
        for b in range(NBUF):
            g = NBUF * i + b

            def prev_out():
                add_copy((b - 1) % NBUF).wait()
                out_copy(g - 1, (b - 1) % NBUF).start()

            if b == 0:
                @pl.when(i >= 1)
                def _prev_out():
                    prev_out()
            else:
                prev_out()

            tok_copy(b).wait()
            add_copy(b).start(add=True)

            def next_tok():
                bn = (b + 3) % NBUF

                def drain():
                    out_copy(g - (NBUF - 3), bn).wait()

                if b < NBUF - 3:
                    @pl.when(i >= 1)
                    def _drain():
                        drain()
                else:
                    drain()
                launch_tok(g + 3, bn)

            if b <= NBUF - 4:
                next_tok()
            else:
                @pl.when(i <= N_CHUNKS // NBUF - 2)
                def _next_tok():
                    next_tok()

            if b <= NBUF - 5:
                issue_idx(g + 4, (b + 4) % NBUF)
            else:
                @pl.when(i <= N_CHUNKS // NBUF - 2)
                def _next_idx():
                    issue_idx(g + 4, (b + 4) % NBUF)
        return carry

    lax.fori_loop(0, N_CHUNKS // NBUF, step, 0)

    add_copy((N_CHUNKS - 1) % NBUF).wait()
    out_copy(N_CHUNKS - 1, (N_CHUNKS - 1) % NBUF).start()
    for j in range(NBUF - 1, -1, -1):
        g = N_CHUNKS - 1 - j
        out_copy(g, g % NBUF).wait()


def kernel(x, segment, strand, token_table, segment_table, strand_table):
    ctab, cidx = _prep(segment.astype(jnp.int32), strand.astype(jnp.int32),
                       segment_table, strand_table)
    xf = x.reshape(-1).astype(jnp.int32)
    cidxf = cidx.reshape(-1)

    mesh = plsc.VectorSubcoreMesh(core_axis_name="c", subcore_axis_name="s")
    run = functools.partial(
        pl.kernel,
        out_type=jax.ShapeDtypeStruct((N, D), jnp.float32),
        mesh=mesh,
        compiler_params=pltpu.CompilerParams(needs_layout_passes=False),
        scratch_types=[
            pltpu.VMEM_SHARED((2 * N_SEG, D), jnp.float32),
        ]
        + [pltpu.VMEM((K,), jnp.int32) for _ in range(NBUF)]
        + [pltpu.VMEM((K,), jnp.int32) for _ in range(NBUF)]
        + [pltpu.VMEM((K, D), jnp.float32) for _ in range(NBUF)]
        + [pltpu.SemaphoreType.DMA] * (4 * NBUF),
    )(_sc_body)
    out = run(xf, cidxf, token_table, ctab)
    return out.reshape(x.shape[0], x.shape[1], D)

# --- scband reference (transcript-rebuilt; emitter-appended) ---
"""Pipeline reference for scband-embedding-layer-49435073576983 (READ-ONLY COPY).

The authoritative reference and input builder live on the scoring server;
editing this copy changes nothing except your own understanding.
"""

import jax, jax.numpy as jnp
import numpy as np

PADDING_IDX = 1
VOCAB = 100000
WINDOW = 200
D_MODEL = 128
BATCH = 4096
SEQ = 200


def setup_inputs(seed: int = 0) -> dict:
    key = jax.random.key(seed)
    k1, k2, k3, k4, k5, k6 = jax.random.split(key, 6)
    x = jax.random.randint(k1, (BATCH, SEQ), 0, VOCAB, dtype=jnp.int64 if jax.config.jax_enable_x64 else jnp.int32)
    segment = jax.random.randint(k2, (BATCH, SEQ), 0, WINDOW, dtype=x.dtype)
    strand = jax.random.randint(k3, (BATCH, SEQ), 0, 2, dtype=x.dtype)
    token_table = jax.random.normal(k4, (VOCAB, D_MODEL), dtype=jnp.float32)
    # nn.Embedding zero-initializes the padding_idx row
    token_table = token_table.at[PADDING_IDX].set(0.0)
    segment_table = jax.random.normal(k5, (WINDOW, D_MODEL), dtype=jnp.float32)
    strand_table = jax.random.normal(k6, (2, D_MODEL), dtype=jnp.float32)
    return {
        "x": x,
        "segment": segment,
        "strand": strand,
        "token_table": token_table,
        "segment_table": segment_table,
        "strand_table": strand_table,
    }


def reference(x, segment, strand, token_table, segment_table, strand_table):
    # TokenEmbedding with padding_idx=1: lookup, then mask padding positions
    tok = jnp.take(token_table, x, axis=0)
    pad_mask = (x != PADDING_IDX)[..., None].astype(tok.dtype)
    tok = tok * pad_mask
    seg = jnp.take(segment_table, segment, axis=0)
    st = jnp.take(strand_table, strand, axis=0)
    return tok + seg + st

if __name__ == "__main__":
    import jax
    _d = setup_inputs()
    print(jax.jit(kernel)(*tuple(_d.values())))

</pallas_src>

<mosaic_0001>
#map = affine_map<(d0, d1) -> (0)>
#map1 = affine_map<(d0, d1) -> (0, 0)>
module attributes {stable_mosaic.version = 14 : i64} {
  func.func @_sc_body(%arg0: i32, %arg1: i32, %arg2: memref<819200xi32, #tpu.memory_space<hbm>>, %arg3: memref<819200xi32, #tpu.memory_space<hbm>>, %arg4: memref<100000x128xf32, #tpu.memory_space<hbm>>, %arg5: memref<400x128xf32, #tpu.memory_space<hbm>>, %arg6: memref<819200x128xf32, #tpu.memory_space<hbm>>, %arg7: memref<400x128xf32, #tpu.memory_space<vmem_shared>>, %arg8: memref<128xi32, #tpu.memory_space<vmem>>, %arg9: memref<128xi32, #tpu.memory_space<vmem>>, %arg10: memref<128xi32, #tpu.memory_space<vmem>>, %arg11: memref<128xi32, #tpu.memory_space<vmem>>, %arg12: memref<128xi32, #tpu.memory_space<vmem>>, %arg13: memref<128xi32, #tpu.memory_space<vmem>>, %arg14: memref<128xi32, #tpu.memory_space<vmem>>, %arg15: memref<128xi32, #tpu.memory_space<vmem>>, %arg16: memref<128xi32, #tpu.memory_space<vmem>>, %arg17: memref<128xi32, #tpu.memory_space<vmem>>, %arg18: memref<128x128xf32, #tpu.memory_space<vmem>>, %arg19: memref<128x128xf32, #tpu.memory_space<vmem>>, %arg20: memref<128x128xf32, #tpu.memory_space<vmem>>, %arg21: memref<128x128xf32, #tpu.memory_space<vmem>>, %arg22: memref<128x128xf32, #tpu.memory_space<vmem>>, %arg23: memref<!tpu.dma_semaphore, #tpu.memory_space<semaphore_mem>>, %arg24: memref<!tpu.dma_semaphore, #tpu.memory_space<semaphore_mem>>, %arg25: memref<!tpu.dma_semaphore, #tpu.memory_space<semaphore_mem>>, %arg26: memref<!tpu.dma_semaphore, #tpu.memory_space<semaphore_mem>>, %arg27: memref<!tpu.dma_semaphore, #tpu.memory_space<semaphore_mem>>, %arg28: memref<!tpu.dma_semaphore, #tpu.memory_space<semaphore_mem>>, %arg29: memref<!tpu.dma_semaphore, #tpu.memory_space<semaphore_mem>>, %arg30: memref<!tpu.dma_semaphore, #tpu.memory_space<semaphore_mem>>, %arg31: memref<!tpu.dma_semaphore, #tpu.memory_space<semaphore_mem>>, %arg32: memref<!tpu.dma_semaphore, #tpu.memory_space<semaphore_mem>>, %arg33: memref<!tpu.dma_semaphore, #tpu.memory_space<semaphore_mem>>, %arg34: memref<!tpu.dma_semaphore, #tpu.memory_space<semaphore_mem>>, %arg35: memref<!tpu.dma_semaphore, #tpu.memory_space<semaphore_mem>>, %arg36: memref<!tpu.dma_semaphore, #tpu.memory_space<semaphore_mem>>, %arg37: memref<!tpu.dma_semaphore, #tpu.memory_space<semaphore_mem>>, %arg38: memref<!tpu.dma_semaphore, #tpu.memory_space<semaphore_mem>>, %arg39: memref<!tpu.dma_semaphore, #tpu.memory_space<semaphore_mem>>, %arg40: memref<!tpu.dma_semaphore, #tpu.memory_space<semaphore_mem>>, %arg41: memref<!tpu.dma_semaphore, #tpu.memory_space<semaphore_mem>>, %arg42: memref<!tpu.dma_semaphore, #tpu.memory_space<semaphore_mem>>) attributes {dimension_semantics = [#tpu.dimension_semantics<core_parallel>, #tpu.dimension_semantics<subcore_parallel>], iteration_bounds = array<i64: 2, 16>, scalar_prefetch = 0 : i64, scratch_operands = 36 : i64, tpu.core_type = #tpu.core_type<sc_vector_subcore>, window_params = [{transform_indices = #map}, {transform_indices = #map}, {transform_indices = #map1}, {transform_indices = #map1}, {transform_indices = #map1}]} {
    %mul3A = arith.constant 2 : i32
    %mul3A_0 = arith.muli %arg1, %mul3A : i32
    %add3A = arith.addi %mul3A_0, %arg0 : i32
    %mul3A_1 = arith.constant 25600 : i32
    %mul3A_2 = arith.muli %add3A, %mul3A_1 : i32
    %eq3A = arith.constant 0 : i32
    %eq3A_3 = arith.cmpi eq, %arg1, %eq3A : i32
    %convert_element_type3A = arith.extui %eq3A_3 : i1 to i32
    %cond3A = arith.constant 0 : i32
    %cond3A_4 = arith.cmpi ne, %convert_element_type3A, %cond3A : i32
    scf.if %cond3A_4 {
      "tpu.region"() ({
        %run_scoped3A = tpu.sem_alloc : memref<!tpu.dma_semaphore, #tpu.memory_space<semaphore_mem>>
        tpu.enqueue_dma source(%arg5 : memref<400x128xf32, #tpu.memory_space<hbm>>) target(%arg7 : memref<400x128xf32, #tpu.memory_space<vmem_shared>>) target_semaphore(%run_scoped3A : memref<!tpu.dma_semaphore, #tpu.memory_space<semaphore_mem>>)
        tpu.wait_dma2 semaphore(%run_scoped3A : memref<!tpu.dma_semaphore, #tpu.memory_space<semaphore_mem>>) src(%arg5 : memref<400x128xf32, #tpu.memory_space<hbm>>) dst(%arg7 : memref<400x128xf32, #tpu.memory_space<vmem_shared>>)
        tpu.yield
      }) : () -> ()
    } else {
    }
    %barrier3A = arith.constant 0 : index
    tpu.barrier barrier_id(%barrier3A)
    %add3A_5 = arith.constant 0 : i32
    %add3A_6 = arith.addi %mul3A_2, %add3A_5 : i32
    %dma_start3A = tpu.memref_slice %arg2[%add3A_6] : memref<819200xi32, #tpu.memory_space<hbm>> -> memref<128xi32, #tpu.memory_space<hbm>>
    %dma_start3A_7 = tpu.memref_slice %arg2[%add3A_6] : memref<819200xi32, #tpu.memory_space<hbm>> -> memref<128xi32, #tpu.memory_space<hbm>>
    tpu.enqueue_dma source(%dma_start3A_7 : memref<128xi32, #tpu.memory_space<hbm>>) target(%arg8 : memref<128xi32, #tpu.memory_space<vmem>>) target_semaphore(%arg23 : memref<!tpu.dma_semaphore, #tpu.memory_space<semaphore_mem>>)
    %dma_start3A_8 = tpu.memref_slice %arg3[%add3A_6] : memref<819200xi32, #tpu.memory_space<hbm>> -> memref<128xi32, #tpu.memory_space<hbm>>
    %dma_start3A_9 = tpu.memref_slice %arg3[%add3A_6] : memref<819200xi32, #tpu.memory_space<hbm>> -> memref<128xi32, #tpu.memory_space<hbm>>
    tpu.enqueue_dma source(%dma_start3A_9 : memref<128xi32, #tpu.memory_space<hbm>>) target(%arg13 : memref<128xi32, #tpu.memory_space<vmem>>) target_semaphore(%arg23 : memref<!tpu.dma_semaphore, #tpu.memory_space<semaphore_mem>>)
    %add3A_10 = arith.constant 128 : i32
    %add3A_11 = arith.addi %mul3A_2, %add3A_10 : i32
    %dma_start3A_12 = tpu.memref_slice %arg2[%add3A_11] : memref<819200xi32, #tpu.memory_space<hbm>> -> memref<128xi32, #tpu.memory_space<hbm>>
    %dma_start3A_13 = tpu.memref_slice %arg2[%add3A_11] : memref<819200xi32, #tpu.memory_space<hbm>> -> memref<128xi32, #tpu.memory_space<hbm>>
    tpu.enqueue_dma source(%dma_start3A_13 : memref<128xi32, #tpu.memory_space<hbm>>) target(%arg9 : memref<128xi32, #tpu.memory_space<vmem>>) target_semaphore(%arg24 : memref<!tpu.dma_semaphore, #tpu.memory_space<semaphore_mem>>)
    %dma_start3A_14 = tpu.memref_slice %arg3[%add3A_11] : memref<819200xi32, #tpu.memory_space<hbm>> -> memref<128xi32, #tpu.memory_space<hbm>>
    %dma_start3A_15 = tpu.memref_slice %arg3[%add3A_11] : memref<819200xi32, #tpu.memory_space<hbm>> -> memref<128xi32, #tpu.memory_space<hbm>>
    tpu.enqueue_dma source(%dma_start3A_15 : memref<128xi32, #tpu.memory_space<hbm>>) target(%arg14 : memref<128xi32, #tpu.memory_space<vmem>>) target_semaphore(%arg24 : memref<!tpu.dma_semaphore, #tpu.memory_space<semaphore_mem>>)
    %add3A_16 = arith.constant 256 : i32
    %add3A_17 = arith.addi %mul3A_2, %add3A_16 : i32
    %dma_start3A_18 = tpu.memref_slice %arg2[%add3A_17] : memref<819200xi32, #tpu.memory_space<hbm>> -> memref<128xi32, #tpu.memory_space<hbm>>
    %dma_start3A_19 = tpu.memref_slice %arg2[%add3A_17] : memref<819200xi32, #tpu.memory_space<hbm>> -> memref<128xi32, #tpu.memory_space<hbm>>
    tpu.enqueue_dma source(%dma_start3A_19 : memref<128xi32, #tpu.memory_space<hbm>>) target(%arg10 : memref<128xi32, #tpu.memory_space<vmem>>) target_semaphore(%arg25 : memref<!tpu.dma_semaphore, #tpu.memory_space<semaphore_mem>>)
    %dma_start3A_20 = tpu.memref_slice %arg3[%add3A_17] : memref<819200xi32, #tpu.memory_space<hbm>> -> memref<128xi32, #tpu.memory_space<hbm>>
    %dma_start3A_21 = tpu.memref_slice %arg3[%add3A_17] : memref<819200xi32, #tpu.memory_space<hbm>> -> memref<128xi32, #tpu.memory_space<hbm>>
    tpu.enqueue_dma source(%dma_start3A_21 : memref<128xi32, #tpu.memory_space<hbm>>) target(%arg15 : memref<128xi32, #tpu.memory_space<vmem>>) target_semaphore(%arg25 : memref<!tpu.dma_semaphore, #tpu.memory_space<semaphore_mem>>)
    %add3A_22 = arith.constant 384 : i32
    %add3A_23 = arith.addi %mul3A_2, %add3A_22 : i32
    %dma_start3A_24 = tpu.memref_slice %arg2[%add3A_23] : memref<819200xi32, #tpu.memory_space<hbm>> -> memref<128xi32, #tpu.memory_space<hbm>>
    %dma_start3A_25 = tpu.memref_slice %arg2[%add3A_23] : memref<819200xi32, #tpu.memory_space<hbm>> -> memref<128xi32, #tpu.memory_space<hbm>>
    tpu.enqueue_dma source(%dma_start3A_25 : memref<128xi32, #tpu.memory_space<hbm>>) target(%arg11 : memref<128xi32, #tpu.memory_space<vmem>>) target_semaphore(%arg26 : memref<!tpu.dma_semaphore, #tpu.memory_space<semaphore_mem>>)
    %dma_start3A_26 = tpu.memref_slice %arg3[%add3A_23] : memref<819200xi32, #tpu.memory_space<hbm>> -> memref<128xi32, #tpu.memory_space<hbm>>
    %dma_start3A_27 = tpu.memref_slice %arg3[%add3A_23] : memref<819200xi32, #tpu.memory_space<hbm>> -> memref<128xi32, #tpu.memory_space<hbm>>
    tpu.enqueue_dma source(%dma_start3A_27 : memref<128xi32, #tpu.memory_space<hbm>>) target(%arg16 : memref<128xi32, #tpu.memory_space<vmem>>) target_semaphore(%arg26 : memref<!tpu.dma_semaphore, #tpu.memory_space<semaphore_mem>>)
    %add3A_28 = arith.constant 0 : i32
    %add3A_29 = arith.addi %mul3A_2, %add3A_28 : i32
    %dma_wait3A = tpu.memref_slice %arg2[%add3A_29] : memref<819200xi32, #tpu.memory_space<hbm>> -> memref<128xi32, #tpu.memory_space<hbm>>
    %dma_wait3A_30 = tpu.memref_slice %arg2[%add3A_29] : memref<819200xi32, #tpu.memory_space<hbm>> -> memref<128xi32, #tpu.memory_space<hbm>>
    tpu.wait_dma2 semaphore(%arg23 : memref<!tpu.dma_semaphore, #tpu.memory_space<semaphore_mem>>) src(%dma_wait3A_30 : memref<128xi32, #tpu.memory_space<hbm>>) dst(%arg8 : memref<128xi32, #tpu.memory_space<vmem>>)
    %dma_wait3A_31 = tpu.memref_slice %arg3[%add3A_29] : memref<819200xi32, #tpu.memory_space<hbm>> -> memref<128xi32, #tpu.memory_space<hbm>>
    %dma_wait3A_32 = tpu.memref_slice %arg3[%add3A_29] : memref<819200xi32, #tpu.memory_space<hbm>> -> memref<128xi32, #tpu.memory_space<hbm>>
    tpu.wait_dma2 semaphore(%arg23 : memref<!tpu.dma_semaphore, #tpu.memory_space<semaphore_mem>>) src(%dma_wait3A_32 : memref<128xi32, #tpu.memory_space<hbm>>) dst(%arg13 : memref<128xi32, #tpu.memory_space<vmem>>)
    %dma_start3A_33 = arith.constant 0 : i32
    %dma_start3A_34 = arith.constant 0 : i32
    %dma_start3A_35 = tpu.memref_slice %arg4[%dma_start3A_33, %dma_start3A_34] : memref<100000x128xf32, #tpu.memory_space<hbm>> -> memref<100000x128xf32, #tpu.memory_space<hbm>>
    tpu.enqueue_indirect_dma source(%dma_start3A_35 : memref<100000x128xf32, #tpu.memory_space<hbm>>) target(%arg18 : memref<128x128xf32, #tpu.memory_space<vmem>>) offsets(%arg8 : memref<128xi32, #tpu.memory_space<vmem>>) semaphore(%arg28 : memref<!tpu.dma_semaphore, #tpu.memory_space<semaphore_mem>>)
    %add3A_36 = arith.constant 128 : i32
    %add3A_37 = arith.addi %mul3A_2, %add3A_36 : i32
    %dma_wait3A_38 = tpu.memref_slice %arg2[%add3A_37] : memref<819200xi32, #tpu.memory_space<hbm>> -> memref<128xi32, #tpu.memory_space<hbm>>
    %dma_wait3A_39 = tpu.memref_slice %arg2[%add3A_37] : memref<819200xi32, #tpu.memory_space<hbm>> -> memref<128xi32, #tpu.memory_space<hbm>>
    tpu.wait_dma2 semaphore(%arg24 : memref<!tpu.dma_semaphore, #tpu.memory_space<semaphore_mem>>) src(%dma_wait3A_39 : memref<128xi32, #tpu.memory_space<hbm>>) dst(%arg9 : memref<128xi32, #tpu.memory_space<vmem>>)
    %dma_wait3A_40 = tpu.memref_slice %arg3[%add3A_37] : memref<819200xi32, #tpu.memory_space<hbm>> -> memref<128xi32, #tpu.memory_space<hbm>>
    %dma_wait3A_41 = tpu.memref_slice %arg3[%add3A_37] : memref<819200xi32, #tpu.memory_space<hbm>> -> memref<128xi32, #tpu.memory_space<hbm>>
    tpu.wait_dma2 semaphore(%arg24 : memref<!tpu.dma_semaphore, #tpu.memory_space<semaphore_mem>>) src(%dma_wait3A_41 : memref<128xi32, #tpu.memory_space<hbm>>) dst(%arg14 : memref<128xi32, #tpu.memory_space<vmem>>)
    %dma_start3A_42 = arith.constant 0 : i32
    %dma_start3A_43 = arith.constant 0 : i32
    %dma_start3A_44 = tpu.memref_slice %arg4[%dma_start3A_42, %dma_start3A_43] : memref<100000x128xf32, #tpu.memory_space<hbm>> -> memref<100000x128xf32, #tpu.memory_space<hbm>>
    tpu.enqueue_indirect_dma source(%dma_start3A_44 : memref<100000x128xf32, #tpu.memory_space<hbm>>) target(%arg19 : memref<128x128xf32, #tpu.memory_space<vmem>>) offsets(%arg9 : memref<128xi32, #tpu.memory_space<vmem>>) semaphore(%arg29 : memref<!tpu.dma_semaphore, #tpu.memory_space<semaphore_mem>>)
    %add3A_45 = arith.constant 256 : i32
    %add3A_46 = arith.addi %mul3A_2, %add3A_45 : i32
    %dma_wait3A_47 = tpu.memref_slice %arg2[%add3A_46] : memref<819200xi32, #tpu.memory_space<hbm>> -> memref<128xi32, #tpu.memory_space<hbm>>
    %dma_wait3A_48 = tpu.memref_slice %arg2[%add3A_46] : memref<819200xi32, #tpu.memory_space<hbm>> -> memref<128xi32, #tpu.memory_space<hbm>>
    tpu.wait_dma2 semaphore(%arg25 : memref<!tpu.dma_semaphore, #tpu.memory_space<semaphore_mem>>) src(%dma_wait3A_48 : memref<128xi32, #tpu.memory_space<hbm>>) dst(%arg10 : memref<128xi32, #tpu.memory_space<vmem>>)
    %dma_wait3A_49 = tpu.memref_slice %arg3[%add3A_46] : memref<819200xi32, #tpu.memory_space<hbm>> -> memref<128xi32, #tpu.memory_space<hbm>>
    %dma_wait3A_50 = tpu.memref_slice %arg3[%add3A_46] : memref<819200xi32, #tpu.memory_space<hbm>> -> memref<128xi32, #tpu.memory_space<hbm>>
    tpu.wait_dma2 semaphore(%arg25 : memref<!tpu.dma_semaphore, #tpu.memory_space<semaphore_mem>>) src(%dma_wait3A_50 : memref<128xi32, #tpu.memory_space<hbm>>) dst(%arg15 : memref<128xi32, #tpu.memory_space<vmem>>)
    %dma_start3A_51 = arith.constant 0 : i32
    %dma_start3A_52 = arith.constant 0 : i32
    %dma_start3A_53 = tpu.memref_slice %arg4[%dma_start3A_51, %dma_start3A_52] : memref<100000x128xf32, #tpu.memory_space<hbm>> -> memref<100000x128xf32, #tpu.memory_space<hbm>>
    tpu.enqueue_indirect_dma source(%dma_start3A_53 : memref<100000x128xf32, #tpu.memory_space<hbm>>) target(%arg20 : memref<128x128xf32, #tpu.memory_space<vmem>>) offsets(%arg10 : memref<128xi32, #tpu.memory_space<vmem>>) semaphore(%arg30 : memref<!tpu.dma_semaphore, #tpu.memory_space<semaphore_mem>>)
    %scan3A = arith.constant 0 : i32
    %scan3A_54 = arith.constant 0 : i32
    %scan3A_55 = arith.constant 40 : i32
    %scan3A_56 = arith.addi %scan3A_54, %scan3A_55 : i32
    %scan3A_57 = arith.constant 1 : i32
    scf.for %scan3A_98 = %scan3A_54 to %scan3A_56 step %scan3A_57  : i32 {
      %mul3A_99 = arith.constant 5 : i32
      %mul3A_100 = arith.muli %mul3A_99, %scan3A_98 : i32
      %add3A_101 = arith.constant 0 : i32
      %add3A_102 = arith.addi %mul3A_100, %add3A_101 : i32
      %ge3A = arith.constant 1 : i32
      %ge3A_103 = arith.cmpi sge, %scan3A_98, %ge3A : i32
      %convert_element_type3A_104 = arith.extui %ge3A_103 : i1 to i32
      %cond3A_105 = arith.constant 0 : i32
      %cond3A_106 = arith.cmpi ne, %convert_element_type3A_104, %cond3A_105 : i32
      scf.if %cond3A_106 {
        %dma_wait3A_277 = arith.constant 0 : i32
        %dma_wait3A_278 = arith.constant 0 : i32
        %dma_wait3A_279 = tpu.memref_slice %arg7[%dma_wait3A_277, %dma_wait3A_278] : memref<400x128xf32, #tpu.memory_space<vmem_shared>> -> memref<400x128xf32, #tpu.memory_space<vmem_shared>>
        tpu.wait_indirect_dma semaphore(%arg37 : memref<!tpu.dma_semaphore, #tpu.memory_space<semaphore_mem>>) src(%dma_wait3A_279 : memref<400x128xf32, #tpu.memory_space<vmem_shared>>) dst(%arg22 : memref<128x128xf32, #tpu.memory_space<vmem>>)
        %sub3A_280 = arith.constant 1 : i32
        %sub3A_281 = arith.subi %add3A_102, %sub3A_280 : i32
        %mul3A_282 = arith.constant 128 : i32
        %mul3A_283 = arith.muli %sub3A_281, %mul3A_282 : i32
        %add3A_284 = arith.addi %mul3A_2, %mul3A_283 : i32
        %dma_start3A_285 = arith.constant 0 : i32
        %dma_start3A_286 = tpu.memref_slice %arg6[%add3A_284, %dma_start3A_285] : memref<819200x128xf32, #tpu.memory_space<hbm>> -> memref<128x128xf32, #tpu.memory_space<hbm>>
        %dma_start3A_287 = arith.constant 0 : i32
        %dma_start3A_288 = tpu.memref_slice %arg6[%add3A_284, %dma_start3A_287] : memref<819200x128xf32, #tpu.memory_space<hbm>> -> memref<128x128xf32, #tpu.memory_space<hbm>>
        tpu.enqueue_dma source(%arg22 : memref<128x128xf32, #tpu.memory_space<vmem>>) target(%dma_start3A_288 : memref<128x128xf32, #tpu.memory_space<hbm>>) target_semaphore(%arg42 : memref<!tpu.dma_semaphore, #tpu.memory_space<semaphore_mem>>)
      } else {
      }
      %dma_wait3A_107 = arith.constant 0 : i32
      %dma_wait3A_108 = arith.constant 0 : i32
      %dma_wait3A_109 = tpu.memref_slice %arg4[%dma_wait3A_107, %dma_wait3A_108] : memref<100000x128xf32, #tpu.memory_space<hbm>> -> memref<100000x128xf32, #tpu.memory_space<hbm>>
      tpu.wait_indirect_dma semaphore(%arg28 : memref<!tpu.dma_semaphore, #tpu.memory_space<semaphore_mem>>) src(%dma_wait3A_109 : memref<100000x128xf32, #tpu.memory_space<hbm>>) dst(%arg18 : memref<128x128xf32, #tpu.memory_space<vmem>>)
      %dma_start3A_110 = arith.constant 0 : i32
      %dma_start3A_111 = arith.constant 0 : i32
      %dma_start3A_112 = tpu.memref_slice %arg7[%dma_start3A_110, %dma_start3A_111] : memref<400x128xf32, #tpu.memory_space<vmem_shared>> -> memref<400x128xf32, #tpu.memory_space<vmem_shared>>
      tpu.enqueue_indirect_dma source(%dma_start3A_112 : memref<400x128xf32, #tpu.memory_space<vmem_shared>>) target(%arg18 : memref<128x128xf32, #tpu.memory_space<vmem>>) offsets(%arg13 : memref<128xi32, #tpu.memory_space<vmem>>) semaphore(%arg33 : memref<!tpu.dma_semaphore, #tpu.memory_space<semaphore_mem>>) {add = true}
      %ge3A_113 = arith.constant 1 : i32
      %ge3A_114 = arith.cmpi sge, %scan3A_98, %ge3A_113 : i32
      %convert_element_type3A_115 = arith.extui %ge3A_114 : i1 to i32
      %cond3A_116 = arith.constant 0 : i32
      %cond3A_117 = arith.cmpi ne, %convert_element_type3A_115, %cond3A_116 : i32
      scf.if %cond3A_117 {
        %sub3A_277 = arith.constant 2 : i32
        %sub3A_278 = arith.subi %add3A_102, %sub3A_277 : i32
        %mul3A_279 = arith.constant 128 : i32
        %mul3A_280 = arith.muli %sub3A_278, %mul3A_279 : i32
        %add3A_281 = arith.addi %mul3A_2, %mul3A_280 : i32
        %dma_wait3A_282 = arith.constant 0 : i32
        %dma_wait3A_283 = tpu.memref_slice %arg6[%add3A_281, %dma_wait3A_282] : memref<819200x128xf32, #tpu.memory_space<hbm>> -> memref<128x128xf32, #tpu.memory_space<hbm>>
        %dma_wait3A_284 = arith.constant 0 : i32
        %dma_wait3A_285 = tpu.memref_slice %arg6[%add3A_281, %dma_wait3A_284] : memref<819200x128xf32, #tpu.memory_space<hbm>> -> memref<128x128xf32, #tpu.memory_space<hbm>>
        tpu.wait_dma2 semaphore(%arg41 : memref<!tpu.dma_semaphore, #tpu.memory_space<semaphore_mem>>) src(%arg21 : memref<128x128xf32, #tpu.memory_space<vmem>>) dst(%dma_wait3A_285 : memref<128x128xf32, #tpu.memory_space<hbm>>)
      } else {
      }
      %add3A_118 = arith.constant 3 : i32
      %add3A_119 = arith.addi %add3A_102, %add3A_118 : i32
      %mul3A_120 = arith.constant 128 : i32
      %mul3A_121 = arith.muli %add3A_119, %mul3A_120 : i32
      %add3A_122 = arith.addi %mul3A_2, %mul3A_121 : i32
      %dma_wait3A_123 = tpu.memref_slice %arg2[%add3A_122] : memref<819200xi32, #tpu.memory_space<hbm>> -> memref<128xi32, #tpu.memory_space<hbm>>
      %dma_wait3A_124 = tpu.memref_slice %arg2[%add3A_122] : memref<819200xi32, #tpu.memory_space<hbm>> -> memref<128xi32, #tpu.memory_space<hbm>>
      tpu.wait_dma2 semaphore(%arg26 : memref<!tpu.dma_semaphore, #tpu.memory_space<semaphore_mem>>) src(%dma_wait3A_124 : memref<128xi32, #tpu.memory_space<hbm>>) dst(%arg11 : memref<128xi32, #tpu.memory_space<vmem>>)
      %dma_wait3A_125 = tpu.memref_slice %arg3[%add3A_122] : memref<819200xi32, #tpu.memory_space<hbm>> -> memref<128xi32, #tpu.memory_space<hbm>>
      %dma_wait3A_126 = tpu.memref_slice %arg3[%add3A_122] : memref<819200xi32, #tpu.memory_space<hbm>> -> memref<128xi32, #tpu.memory_space<hbm>>
      tpu.wait_dma2 semaphore(%arg26 : memref<!tpu.dma_semaphore, #tpu.memory_space<semaphore_mem>>) src(%dma_wait3A_126 : memref<128xi32, #tpu.memory_space<hbm>>) dst(%arg16 : memref<128xi32, #tpu.memory_space<vmem>>)
      %dma_start3A_127 = arith.constant 0 : i32
      %dma_start3A_128 = arith.constant 0 : i32
      %dma_start3A_129 = tpu.memref_slice %arg4[%dma_start3A_127, %dma_start3A_128] : memref<100000x128xf32, #tpu.memory_space<hbm>> -> memref<100000x128xf32, #tpu.memory_space<hbm>>
      tpu.enqueue_indirect_dma source(%dma_start3A_129 : memref<100000x128xf32, #tpu.memory_space<hbm>>) target(%arg21 : memref<128x128xf32, #tpu.memory_space<vmem>>) offsets(%arg11 : memref<128xi32, #tpu.memory_space<vmem>>) semaphore(%arg31 : memref<!tpu.dma_semaphore, #tpu.memory_space<semaphore_mem>>)
      %add3A_130 = arith.constant 4 : i32
      %add3A_131 = arith.addi %add3A_102, %add3A_130 : i32
      %mul3A_132 = arith.constant 128 : i32
      %mul3A_133 = arith.muli %add3A_131, %mul3A_132 : i32
      %add3A_134 = arith.addi %mul3A_2, %mul3A_133 : i32
      %dma_start3A_135 = tpu.memref_slice %arg2[%add3A_134] : memref<819200xi32, #tpu.memory_space<hbm>> -> memref<128xi32, #tpu.memory_space<hbm>>
      %dma_start3A_136 = tpu.memref_slice %arg2[%add3A_134] : memref<819200xi32, #tpu.memory_space<hbm>> -> memref<128xi32, #tpu.memory_space<hbm>>
      tpu.enqueue_dma source(%dma_start3A_136 : memref<128xi32, #tpu.memory_space<hbm>>) target(%arg12 : memref<128xi32, #tpu.memory_space<vmem>>) target_semaphore(%arg27 : memref<!tpu.dma_semaphore, #tpu.memory_space<semaphore_mem>>)
      %dma_start3A_137 = tpu.memref_slice %arg3[%add3A_134] : memref<819200xi32, #tpu.memory_space<hbm>> -> memref<128xi32, #tpu.memory_space<hbm>>
      %dma_start3A_138 = tpu.memref_slice %arg3[%add3A_134] : memref<819200xi32, #tpu.memory_space<hbm>> -> memref<128xi32, #tpu.memory_space<hbm>>
      tpu.enqueue_dma source(%dma_start3A_138 : memref<128xi32, #tpu.memory_space<hbm>>) target(%arg17 : memref<128xi32, #tpu.memory_space<vmem>>) target_semaphore(%arg27 : memref<!tpu.dma_semaphore, #tpu.memory_space<semaphore_mem>>)
      %mul3A_139 = arith.constant 5 : i32
      %mul3A_140 = arith.muli %mul3A_139, %scan3A_98 : i32
      %add3A_141 = arith.constant 1 : i32
      %add3A_142 = arith.addi %mul3A_140, %add3A_141 : i32
      %dma_wait3A_143 = arith.constant 0 : i32
      %dma_wait3A_144 = arith.constant 0 : i32
      %dma_wait3A_145 = tpu.memref_slice %arg7[%dma_wait3A_143, %dma_wait3A_144] : memref<400x128xf32, #tpu.memory_space<vmem_shared>> -> memref<400x128xf32, #tpu.memory_space<vmem_shared>>
      tpu.wait_indirect_dma semaphore(%arg33 : memref<!tpu.dma_semaphore, #tpu.memory_space<semaphore_mem>>) src(%dma_wait3A_145 : memref<400x128xf32, #tpu.memory_space<vmem_shared>>) dst(%arg18 : memref<128x128xf32, #tpu.memory_space<vmem>>)
      %sub3A = arith.constant 1 : i32
      %sub3A_146 = arith.subi %add3A_142, %sub3A : i32
      %mul3A_147 = arith.constant 128 : i32
      %mul3A_148 = arith.muli %sub3A_146, %mul3A_147 : i32
      %add3A_149 = arith.addi %mul3A_2, %mul3A_148 : i32
      %dma_start3A_150 = arith.constant 0 : i32
      %dma_start3A_151 = tpu.memref_slice %arg6[%add3A_149, %dma_start3A_150] : memref<819200x128xf32, #tpu.memory_space<hbm>> -> memref<128x128xf32, #tpu.memory_space<hbm>>
      %dma_start3A_152 = arith.constant 0 : i32
      %dma_start3A_153 = tpu.memref_slice %arg6[%add3A_149, %dma_start3A_152] : memref<819200x128xf32, #tpu.memory_space<hbm>> -> memref<128x128xf32, #tpu.memory_space<hbm>>
      tpu.enqueue_dma source(%arg18 : memref<128x128xf32, #tpu.memory_space<vmem>>) target(%dma_start3A_153 : memref<128x128xf32, #tpu.memory_space<hbm>>) target_semaphore(%arg38 : memref<!tpu.dma_semaphore, #tpu.memory_space<semaphore_mem>>)
      %dma_wait3A_154 = arith.constant 0 : i32
      %dma_wait3A_155 = arith.constant 0 : i32
      %dma_wait3A_156 = tpu.memref_slice %arg4[%dma_wait3A_154, %dma_wait3A_155] : memref<100000x128xf32, #tpu.memory_space<hbm>> -> memref<100000x128xf32, #tpu.memory_space<hbm>>
      tpu.wait_indirect_dma semaphore(%arg29 : memref<!tpu.dma_semaphore, #tpu.memory_space<semaphore_mem>>) src(%dma_wait3A_156 : memref<100000x128xf32, #tpu.memory_space<hbm>>) dst(%arg19 : memref<128x128xf32, #tpu.memory_space<vmem>>)
      %dma_start3A_157 = arith.constant 0 : i32
      %dma_start3A_158 = arith.constant 0 : i32
      %dma_start3A_159 = tpu.memref_slice %arg7[%dma_start3A_157, %dma_start3A_158] : memref<400x128xf32, #tpu.memory_space<vmem_shared>> -> memref<400x128xf32, #tpu.memory_space<vmem_shared>>
      tpu.enqueue_indirect_dma source(%dma_start3A_159 : memref<400x128xf32, #tpu.memory_space<vmem_shared>>) target(%arg19 : memref<128x128xf32, #tpu.memory_space<vmem>>) offsets(%arg14 : memref<128xi32, #tpu.memory_space<vmem>>) semaphore(%arg34 : memref<!tpu.dma_semaphore, #tpu.memory_space<semaphore_mem>>) {add = true}
      %ge3A_160 = arith.constant 1 : i32
      %ge3A_161 = arith.cmpi sge, %scan3A_98, %ge3A_160 : i32
      %convert_element_type3A_162 = arith.extui %ge3A_161 : i1 to i32
      %cond3A_163 = arith.constant 0 : i32
      %cond3A_164 = arith.cmpi ne, %convert_element_type3A_162, %cond3A_163 : i32
      scf.if %cond3A_164 {
        %sub3A_277 = arith.constant 2 : i32
        %sub3A_278 = arith.subi %add3A_142, %sub3A_277 : i32
        %mul3A_279 = arith.constant 128 : i32
        %mul3A_280 = arith.muli %sub3A_278, %mul3A_279 : i32
        %add3A_281 = arith.addi %mul3A_2, %mul3A_280 : i32
        %dma_wait3A_282 = arith.constant 0 : i32
        %dma_wait3A_283 = tpu.memref_slice %arg6[%add3A_281, %dma_wait3A_282] : memref<819200x128xf32, #tpu.memory_space<hbm>> -> memref<128x128xf32, #tpu.memory_space<hbm>>
        %dma_wait3A_284 = arith.constant 0 : i32
        %dma_wait3A_285 = tpu.memref_slice %arg6[%add3A_281, %dma_wait3A_284] : memref<819200x128xf32, #tpu.memory_space<hbm>> -> memref<128x128xf32, #tpu.memory_space<hbm>>
        tpu.wait_dma2 semaphore(%arg42 : memref<!tpu.dma_semaphore, #tpu.memory_space<semaphore_mem>>) src(%arg22 : memref<128x128xf32, #tpu.memory_space<vmem>>) dst(%dma_wait3A_285 : memref<128x128xf32, #tpu.memory_space<hbm>>)
      } else {
      }
      %add3A_165 = arith.constant 3 : i32
      %add3A_166 = arith.addi %add3A_142, %add3A_165 : i32
      %mul3A_167 = arith.constant 128 : i32
      %mul3A_168 = arith.muli %add3A_166, %mul3A_167 : i32
      %add3A_169 = arith.addi %mul3A_2, %mul3A_168 : i32
      %dma_wait3A_170 = tpu.memref_slice %arg2[%add3A_169] : memref<819200xi32, #tpu.memory_space<hbm>> -> memref<128xi32, #tpu.memory_space<hbm>>
      %dma_wait3A_171 = tpu.memref_slice %arg2[%add3A_169] : memref<819200xi32, #tpu.memory_space<hbm>> -> memref<128xi32, #tpu.memory_space<hbm>>
      tpu.wait_dma2 semaphore(%arg27 : memref<!tpu.dma_semaphore, #tpu.memory_space<semaphore_mem>>) src(%dma_wait3A_171 : memref<128xi32, #tpu.memory_space<hbm>>) dst(%arg12 : memref<128xi32, #tpu.memory_space<vmem>>)
      %dma_wait3A_172 = tpu.memref_slice %arg3[%add3A_169] : memref<819200xi32, #tpu.memory_space<hbm>> -> memref<128xi32, #tpu.memory_space<hbm>>
      %dma_wait3A_173 = tpu.memref_slice %arg3[%add3A_169] : memref<819200xi32, #tpu.memory_space<hbm>> -> memref<128xi32, #tpu.memory_space<hbm>>
      tpu.wait_dma2 semaphore(%arg27 : memref<!tpu.dma_semaphore, #tpu.memory_space<semaphore_mem>>) src(%dma_wait3A_173 : memref<128xi32, #tpu.memory_space<hbm>>) dst(%arg17 : memref<128xi32, #tpu.memory_space<vmem>>)
      %dma_start3A_174 = arith.constant 0 : i32
      %dma_start3A_175 = arith.constant 0 : i32
      %dma_start3A_176 = tpu.memref_slice %arg4[%dma_start3A_174, %dma_start3A_175] : memref<100000x128xf32, #tpu.memory_space<hbm>> -> memref<100000x128xf32, #tpu.memory_space<hbm>>
      tpu.enqueue_indirect_dma source(%dma_start3A_176 : memref<100000x128xf32, #tpu.memory_space<hbm>>) target(%arg22 : memref<128x128xf32, #tpu.memory_space<vmem>>) offsets(%arg12 : memref<128xi32, #tpu.memory_space<vmem>>) semaphore(%arg32 : memref<!tpu.dma_semaphore, #tpu.memory_space<semaphore_mem>>)
      %le3A = arith.constant 38 : i32
      %le3A_177 = arith.cmpi sle, %scan3A_98, %le3A : i32
      %convert_element_type3A_178 = arith.extui %le3A_177 : i1 to i32
      %cond3A_179 = arith.constant 0 : i32
      %cond3A_180 = arith.cmpi ne, %convert_element_type3A_178, %cond3A_179 : i32
      scf.if %cond3A_180 {
        %add3A_277 = arith.constant 4 : i32
        %add3A_278 = arith.addi %add3A_142, %add3A_277 : i32
        %mul3A_279 = arith.constant 128 : i32
        %mul3A_280 = arith.muli %add3A_278, %mul3A_279 : i32
        %add3A_281 = arith.addi %mul3A_2, %mul3A_280 : i32
        %dma_start3A_282 = tpu.memref_slice %arg2[%add3A_281] : memref<819200xi32, #tpu.memory_space<hbm>> -> memref<128xi32, #tpu.memory_space<hbm>>
        %dma_start3A_283 = tpu.memref_slice %arg2[%add3A_281] : memref<819200xi32, #tpu.memory_space<hbm>> -> memref<128xi32, #tpu.memory_space<hbm>>
        tpu.enqueue_dma source(%dma_start3A_283 : memref<128xi32, #tpu.memory_space<hbm>>) target(%arg8 : memref<128xi32, #tpu.memory_space<vmem>>) target_semaphore(%arg23 : memref<!tpu.dma_semaphore, #tpu.memory_space<semaphore_mem>>)
        %dma_start3A_284 = tpu.memref_slice %arg3[%add3A_281] : memref<819200xi32, #tpu.memory_space<hbm>> -> memref<128xi32, #tpu.memory_space<hbm>>
        %dma_start3A_285 = tpu.memref_slice %arg3[%add3A_281] : memref<819200xi32, #tpu.memory_space<hbm>> -> memref<128xi32, #tpu.memory_space<hbm>>
        tpu.enqueue_dma source(%dma_start3A_285 : memref<128xi32, #tpu.memory_space<hbm>>) target(%arg13 : memref<128xi32, #tpu.memory_space<vmem>>) target_semaphore(%arg23 : memref<!tpu.dma_semaphore, #tpu.memory_space<semaphore_mem>>)
      } else {
      }
      %mul3A_181 = arith.constant 5 : i32
      %mul3A_182 = arith.muli %mul3A_181, %scan3A_98 : i32
      %add3A_183 = arith.constant 2 : i32
      %add3A_184 = arith.addi %mul3A_182, %add3A_183 : i32
      %dma_wait3A_185 = arith.constant 0 : i32
      %dma_wait3A_186 = arith.constant 0 : i32
      %dma_wait3A_187 = tpu.memref_slice %arg7[%dma_wait3A_185, %dma_wait3A_186] : memref<400x128xf32, #tpu.memory_space<vmem_shared>> -> memref<400x128xf32, #tpu.memory_space<vmem_shared>>
      tpu.wait_indirect_dma semaphore(%arg34 : memref<!tpu.dma_semaphore, #tpu.memory_space<semaphore_mem>>) src(%dma_wait3A_187 : memref<400x128xf32, #tpu.memory_space<vmem_shared>>) dst(%arg19 : memref<128x128xf32, #tpu.memory_space<vmem>>)
      %sub3A_188 = arith.constant 1 : i32
      %sub3A_189 = arith.subi %add3A_184, %sub3A_188 : i32
      %mul3A_190 = arith.constant 128 : i32
      %mul3A_191 = arith.muli %sub3A_189, %mul3A_190 : i32
      %add3A_192 = arith.addi %mul3A_2, %mul3A_191 : i32
      %dma_start3A_193 = arith.constant 0 : i32
      %dma_start3A_194 = tpu.memref_slice %arg6[%add3A_192, %dma_start3A_193] : memref<819200x128xf32, #tpu.memory_space<hbm>> -> memref<128x128xf32, #tpu.memory_space<hbm>>
      %dma_start3A_195 = arith.constant 0 : i32
      %dma_start3A_196 = tpu.memref_slice %arg6[%add3A_192, %dma_start3A_195] : memref<819200x128xf32, #tpu.memory_space<hbm>> -> memref<128x128xf32, #tpu.memory_space<hbm>>
      tpu.enqueue_dma source(%arg19 : memref<128x128xf32, #tpu.memory_space<vmem>>) target(%dma_start3A_196 : memref<128x128xf32, #tpu.memory_space<hbm>>) target_semaphore(%arg39 : memref<!tpu.dma_semaphore, #tpu.memory_space<semaphore_mem>>)
      %dma_wait3A_197 = arith.constant 0 : i32
      %dma_wait3A_198 = arith.constant 0 : i32
      %dma_wait3A_199 = tpu.memref_slice %arg4[%dma_wait3A_197, %dma_wait3A_198] : memref<100000x128xf32, #tpu.memory_space<hbm>> -> memref<100000x128xf32, #tpu.memory_space<hbm>>
      tpu.wait_indirect_dma semaphore(%arg30 : memref<!tpu.dma_semaphore, #tpu.memory_space<semaphore_mem>>) src(%dma_wait3A_199 : memref<100000x128xf32, #tpu.memory_space<hbm>>) dst(%arg20 : memref<128x128xf32, #tpu.memory_space<vmem>>)
      %dma_start3A_200 = arith.constant 0 : i32
      %dma_start3A_201 = arith.constant 0 : i32
      %dma_start3A_202 = tpu.memref_slice %arg7[%dma_start3A_200, %dma_start3A_201] : memref<400x128xf32, #tpu.memory_space<vmem_shared>> -> memref<400x128xf32, #tpu.memory_space<vmem_shared>>
      tpu.enqueue_indirect_dma source(%dma_start3A_202 : memref<400x128xf32, #tpu.memory_space<vmem_shared>>) target(%arg20 : memref<128x128xf32, #tpu.memory_space<vmem>>) offsets(%arg15 : memref<128xi32, #tpu.memory_space<vmem>>) semaphore(%arg35 : memref<!tpu.dma_semaphore, #tpu.memory_space<semaphore_mem>>) {add = true}
      %le3A_203 = arith.constant 38 : i32
      %le3A_204 = arith.cmpi sle, %scan3A_98, %le3A_203 : i32
      %convert_element_type3A_205 = arith.extui %le3A_204 : i1 to i32
      %cond3A_206 = arith.constant 0 : i32
      %cond3A_207 = arith.cmpi ne, %convert_element_type3A_205, %cond3A_206 : i32
      scf.if %cond3A_207 {
        %sub3A_277 = arith.constant 2 : i32
        %sub3A_278 = arith.subi %add3A_184, %sub3A_277 : i32
        %mul3A_279 = arith.constant 128 : i32
        %mul3A_280 = arith.muli %sub3A_278, %mul3A_279 : i32
        %add3A_281 = arith.addi %mul3A_2, %mul3A_280 : i32
        %dma_wait3A_282 = arith.constant 0 : i32
        %dma_wait3A_283 = tpu.memref_slice %arg6[%add3A_281, %dma_wait3A_282] : memref<819200x128xf32, #tpu.memory_space<hbm>> -> memref<128x128xf32, #tpu.memory_space<hbm>>
        %dma_wait3A_284 = arith.constant 0 : i32
        %dma_wait3A_285 = tpu.memref_slice %arg6[%add3A_281, %dma_wait3A_284] : memref<819200x128xf32, #tpu.memory_space<hbm>> -> memref<128x128xf32, #tpu.memory_space<hbm>>
        tpu.wait_dma2 semaphore(%arg38 : memref<!tpu.dma_semaphore, #tpu.memory_space<semaphore_mem>>) src(%arg18 : memref<128x128xf32, #tpu.memory_space<vmem>>) dst(%dma_wait3A_285 : memref<128x128xf32, #tpu.memory_space<hbm>>)
        %add3A_286 = arith.constant 3 : i32
        %add3A_287 = arith.addi %add3A_184, %add3A_286 : i32
        %mul3A_288 = arith.constant 128 : i32
        %mul3A_289 = arith.muli %add3A_287, %mul3A_288 : i32
        %add3A_290 = arith.addi %mul3A_2, %mul3A_289 : i32
        %dma_wait3A_291 = tpu.memref_slice %arg2[%add3A_290] : memref<819200xi32, #tpu.memory_space<hbm>> -> memref<128xi32, #tpu.memory_space<hbm>>
        %dma_wait3A_292 = tpu.memref_slice %arg2[%add3A_290] : memref<819200xi32, #tpu.memory_space<hbm>> -> memref<128xi32, #tpu.memory_space<hbm>>
        tpu.wait_dma2 semaphore(%arg23 : memref<!tpu.dma_semaphore, #tpu.memory_space<semaphore_mem>>) src(%dma_wait3A_292 : memref<128xi32, #tpu.memory_space<hbm>>) dst(%arg8 : memref<128xi32, #tpu.memory_space<vmem>>)
        %dma_wait3A_293 = tpu.memref_slice %arg3[%add3A_290] : memref<819200xi32, #tpu.memory_space<hbm>> -> memref<128xi32, #tpu.memory_space<hbm>>
        %dma_wait3A_294 = tpu.memref_slice %arg3[%add3A_290] : memref<819200xi32, #tpu.memory_space<hbm>> -> memref<128xi32, #tpu.memory_space<hbm>>
        tpu.wait_dma2 semaphore(%arg23 : memref<!tpu.dma_semaphore, #tpu.memory_space<semaphore_mem>>) src(%dma_wait3A_294 : memref<128xi32, #tpu.memory_space<hbm>>) dst(%arg13 : memref<128xi32, #tpu.memory_space<vmem>>)
        %dma_start3A_295 = arith.constant 0 : i32
        %dma_start3A_296 = arith.constant 0 : i32
        %dma_start3A_297 = tpu.memref_slice %arg4[%dma_start3A_295, %dma_start3A_296] : memref<100000x128xf32, #tpu.memory_space<hbm>> -> memref<100000x128xf32, #tpu.memory_space<hbm>>
        tpu.enqueue_indirect_dma source(%dma_start3A_297 : memref<100000x128xf32, #tpu.memory_space<hbm>>) target(%arg18 : memref<128x128xf32, #tpu.memory_space<vmem>>) offsets(%arg8 : memref<128xi32, #tpu.memory_space<vmem>>) semaphore(%arg28 : memref<!tpu.dma_semaphore, #tpu.memory_space<semaphore_mem>>)
      } else {
      }
      %le3A_208 = arith.constant 38 : i32
      %le3A_209 = arith.cmpi sle, %scan3A_98, %le3A_208 : i32
      %convert_element_type3A_210 = arith.extui %le3A_209 : i1 to i32
      %cond3A_211 = arith.constant 0 : i32
      %cond3A_212 = arith.cmpi ne, %convert_element_type3A_210, %cond3A_211 : i32
      scf.if %cond3A_212 {
        %add3A_277 = arith.constant 4 : i32
        %add3A_278 = arith.addi %add3A_184, %add3A_277 : i32
        %mul3A_279 = arith.constant 128 : i32
        %mul3A_280 = arith.muli %add3A_278, %mul3A_279 : i32
        %add3A_281 = arith.addi %mul3A_2, %mul3A_280 : i32
        %dma_start3A_282 = tpu.memref_slice %arg2[%add3A_281] : memref<819200xi32, #tpu.memory_space<hbm>> -> memref<128xi32, #tpu.memory_space<hbm>>
        %dma_start3A_283 = tpu.memref_slice %arg2[%add3A_281] : memref<819200xi32, #tpu.memory_space<hbm>> -> memref<128xi32, #tpu.memory_space<hbm>>
        tpu.enqueue_dma source(%dma_start3A_283 : memref<128xi32, #tpu.memory_space<hbm>>) target(%arg9 : memref<128xi32, #tpu.memory_space<vmem>>) target_semaphore(%arg24 : memref<!tpu.dma_semaphore, #tpu.memory_space<semaphore_mem>>)
        %dma_start3A_284 = tpu.memref_slice %arg3[%add3A_281] : memref<819200xi32, #tpu.memory_space<hbm>> -> memref<128xi32, #tpu.memory_space<hbm>>
        %dma_start3A_285 = tpu.memref_slice %arg3[%add3A_281] : memref<819200xi32, #tpu.memory_space<hbm>> -> memref<128xi32, #tpu.memory_space<hbm>>
        tpu.enqueue_dma source(%dma_start3A_285 : memref<128xi32, #tpu.memory_space<hbm>>) target(%arg14 : memref<128xi32, #tpu.memory_space<vmem>>) target_semaphore(%arg24 : memref<!tpu.dma_semaphore, #tpu.memory_space<semaphore_mem>>)
      } else {
      }
      %mul3A_213 = arith.constant 5 : i32
      %mul3A_214 = arith.muli %mul3A_213, %scan3A_98 : i32
      %add3A_215 = arith.constant 3 : i32
      %add3A_216 = arith.addi %mul3A_214, %add3A_215 : i32
      %dma_wait3A_217 = arith.constant 0 : i32
      %dma_wait3A_218 = arith.constant 0 : i32
      %dma_wait3A_219 = tpu.memref_slice %arg7[%dma_wait3A_217, %dma_wait3A_218] : memref<400x128xf32, #tpu.memory_space<vmem_shared>> -> memref<400x128xf32, #tpu.memory_space<vmem_shared>>
      tpu.wait_indirect_dma semaphore(%arg35 : memref<!tpu.dma_semaphore, #tpu.memory_space<semaphore_mem>>) src(%dma_wait3A_219 : memref<400x128xf32, #tpu.memory_space<vmem_shared>>) dst(%arg20 : memref<128x128xf32, #tpu.memory_space<vmem>>)
      %sub3A_220 = arith.constant 1 : i32
      %sub3A_221 = arith.subi %add3A_216, %sub3A_220 : i32
      %mul3A_222 = arith.constant 128 : i32
      %mul3A_223 = arith.muli %sub3A_221, %mul3A_222 : i32
      %add3A_224 = arith.addi %mul3A_2, %mul3A_223 : i32
      %dma_start3A_225 = arith.constant 0 : i32
      %dma_start3A_226 = tpu.memref_slice %arg6[%add3A_224, %dma_start3A_225] : memref<819200x128xf32, #tpu.memory_space<hbm>> -> memref<128x128xf32, #tpu.memory_space<hbm>>
      %dma_start3A_227 = arith.constant 0 : i32
      %dma_start3A_228 = tpu.memref_slice %arg6[%add3A_224, %dma_start3A_227] : memref<819200x128xf32, #tpu.memory_space<hbm>> -> memref<128x128xf32, #tpu.memory_space<hbm>>
      tpu.enqueue_dma source(%arg20 : memref<128x128xf32, #tpu.memory_space<vmem>>) target(%dma_start3A_228 : memref<128x128xf32, #tpu.memory_space<hbm>>) target_semaphore(%arg40 : memref<!tpu.dma_semaphore, #tpu.memory_space<semaphore_mem>>)
      %dma_wait3A_229 = arith.constant 0 : i32
      %dma_wait3A_230 = arith.constant 0 : i32
      %dma_wait3A_231 = tpu.memref_slice %arg4[%dma_wait3A_229, %dma_wait3A_230] : memref<100000x128xf32, #tpu.memory_space<hbm>> -> memref<100000x128xf32, #tpu.memory_space<hbm>>
      tpu.wait_indirect_dma semaphore(%arg31 : memref<!tpu.dma_semaphore, #tpu.memory_space<semaphore_mem>>) src(%dma_wait3A_231 : memref<100000x128xf32, #tpu.memory_space<hbm>>) dst(%arg21 : memref<128x128xf32, #tpu.memory_space<vmem>>)
      %dma_start3A_232 = arith.constant 0 : i32
      %dma_start3A_233 = arith.constant 0 : i32
      %dma_start3A_234 = tpu.memref_slice %arg7[%dma_start3A_232, %dma_start3A_233] : memref<400x128xf32, #tpu.memory_space<vmem_shared>> -> memref<400x128xf32, #tpu.memory_space<vmem_shared>>
      tpu.enqueue_indirect_dma source(%dma_start3A_234 : memref<400x128xf32, #tpu.memory_space<vmem_shared>>) target(%arg21 : memref<128x128xf32, #tpu.memory_space<vmem>>) offsets(%arg16 : memref<128xi32, #tpu.memory_space<vmem>>) semaphore(%arg36 : memref<!tpu.dma_semaphore, #tpu.memory_space<semaphore_mem>>) {add = true}
      %le3A_235 = arith.constant 38 : i32
      %le3A_236 = arith.cmpi sle, %scan3A_98, %le3A_235 : i32
      %convert_element_type3A_237 = arith.extui %le3A_236 : i1 to i32
      %cond3A_238 = arith.constant 0 : i32
      %cond3A_239 = arith.cmpi ne, %convert_element_type3A_237, %cond3A_238 : i32
      scf.if %cond3A_239 {
        %sub3A_277 = arith.constant 2 : i32
        %sub3A_278 = arith.subi %add3A_216, %sub3A_277 : i32
        %mul3A_279 = arith.constant 128 : i32
        %mul3A_280 = arith.muli %sub3A_278, %mul3A_279 : i32
        %add3A_281 = arith.addi %mul3A_2, %mul3A_280 : i32
        %dma_wait3A_282 = arith.constant 0 : i32
        %dma_wait3A_283 = tpu.memref_slice %arg6[%add3A_281, %dma_wait3A_282] : memref<819200x128xf32, #tpu.memory_space<hbm>> -> memref<128x128xf32, #tpu.memory_space<hbm>>
        %dma_wait3A_284 = arith.constant 0 : i32
        %dma_wait3A_285 = tpu.memref_slice %arg6[%add3A_281, %dma_wait3A_284] : memref<819200x128xf32, #tpu.memory_space<hbm>> -> memref<128x128xf32, #tpu.memory_space<hbm>>
        tpu.wait_dma2 semaphore(%arg39 : memref<!tpu.dma_semaphore, #tpu.memory_space<semaphore_mem>>) src(%arg19 : memref<128x128xf32, #tpu.memory_space<vmem>>) dst(%dma_wait3A_285 : memref<128x128xf32, #tpu.memory_space<hbm>>)
        %add3A_286 = arith.constant 3 : i32
        %add3A_287 = arith.addi %add3A_216, %add3A_286 : i32
        %mul3A_288 = arith.constant 128 : i32
        %mul3A_289 = arith.muli %add3A_287, %mul3A_288 : i32
        %add3A_290 = arith.addi %mul3A_2, %mul3A_289 : i32
        %dma_wait3A_291 = tpu.memref_slice %arg2[%add3A_290] : memref<819200xi32, #tpu.memory_space<hbm>> -> memref<128xi32, #tpu.memory_space<hbm>>
        %dma_wait3A_292 = tpu.memref_slice %arg2[%add3A_290] : memref<819200xi32, #tpu.memory_space<hbm>> -> memref<128xi32, #tpu.memory_space<hbm>>
        tpu.wait_dma2 semaphore(%arg24 : memref<!tpu.dma_semaphore, #tpu.memory_space<semaphore_mem>>) src(%dma_wait3A_292 : memref<128xi32, #tpu.memory_space<hbm>>) dst(%arg9 : memref<128xi32, #tpu.memory_space<vmem>>)
        %dma_wait3A_293 = tpu.memref_slice %arg3[%add3A_290] : memref<819200xi32, #tpu.memory_space<hbm>> -> memref<128xi32, #tpu.memory_space<hbm>>
        %dma_wait3A_294 = tpu.memref_slice %arg3[%add3A_290] : memref<819200xi32, #tpu.memory_space<hbm>> -> memref<128xi32, #tpu.memory_space<hbm>>
        tpu.wait_dma2 semaphore(%arg24 : memref<!tpu.dma_semaphore, #tpu.memory_space<semaphore_mem>>) src(%dma_wait3A_294 : memref<128xi32, #tpu.memory_space<hbm>>) dst(%arg14 : memref<128xi32, #tpu.memory_space<vmem>>)
        %dma_start3A_295 = arith.constant 0 : i32
        %dma_start3A_296 = arith.constant 0 : i32
        %dma_start3A_297 = tpu.memref_slice %arg4[%dma_start3A_295, %dma_start3A_296] : memref<100000x128xf32, #tpu.memory_space<hbm>> -> memref<100000x128xf32, #tpu.memory_space<hbm>>
        tpu.enqueue_indirect_dma source(%dma_start3A_297 : memref<100000x128xf32, #tpu.memory_space<hbm>>) target(%arg19 : memref<128x128xf32, #tpu.memory_space<vmem>>) offsets(%arg9 : memref<128xi32, #tpu.memory_space<vmem>>) semaphore(%arg29 : memref<!tpu.dma_semaphore, #tpu.memory_space<semaphore_mem>>)
      } else {
      }
      %le3A_240 = arith.constant 38 : i32
      %le3A_241 = arith.cmpi sle, %scan3A_98, %le3A_240 : i32
      %convert_element_type3A_242 = arith.extui %le3A_241 : i1 to i32
      %cond3A_243 = arith.constant 0 : i32
      %cond3A_244 = arith.cmpi ne, %convert_element_type3A_242, %cond3A_243 : i32
      scf.if %cond3A_244 {
        %add3A_277 = arith.constant 4 : i32
        %add3A_278 = arith.addi %add3A_216, %add3A_277 : i32
        %mul3A_279 = arith.constant 128 : i32
        %mul3A_280 = arith.muli %add3A_278, %mul3A_279 : i32
        %add3A_281 = arith.addi %mul3A_2, %mul3A_280 : i32
        %dma_start3A_282 = tpu.memref_slice %arg2[%add3A_281] : memref<819200xi32, #tpu.memory_space<hbm>> -> memref<128xi32, #tpu.memory_space<hbm>>
        %dma_start3A_283 = tpu.memref_slice %arg2[%add3A_281] : memref<819200xi32, #tpu.memory_space<hbm>> -> memref<128xi32, #tpu.memory_space<hbm>>
        tpu.enqueue_dma source(%dma_start3A_283 : memref<128xi32, #tpu.memory_space<hbm>>) target(%arg10 : memref<128xi32, #tpu.memory_space<vmem>>) target_semaphore(%arg25 : memref<!tpu.dma_semaphore, #tpu.memory_space<semaphore_mem>>)
        %dma_start3A_284 = tpu.memref_slice %arg3[%add3A_281] : memref<819200xi32, #tpu.memory_space<hbm>> -> memref<128xi32, #tpu.memory_space<hbm>>
        %dma_start3A_285 = tpu.memref_slice %arg3[%add3A_281] : memref<819200xi32, #tpu.memory_space<hbm>> -> memref<128xi32, #tpu.memory_space<hbm>>
        tpu.enqueue_dma source(%dma_start3A_285 : memref<128xi32, #tpu.memory_space<hbm>>) target(%arg15 : memref<128xi32, #tpu.memory_space<vmem>>) target_semaphore(%arg25 : memref<!tpu.dma_semaphore, #tpu.memory_space<semaphore_mem>>)
      } else {
      }
      %mul3A_245 = arith.constant 5 : i32
      %mul3A_246 = arith.muli %mul3A_245, %scan3A_98 : i32
      %add3A_247 = arith.constant 4 : i32
      %add3A_248 = arith.addi %mul3A_246, %add3A_247 : i32
      %dma_wait3A_249 = arith.constant 0 : i32
      %dma_wait3A_250 = arith.constant 0 : i32
      %dma_wait3A_251 = tpu.memref_slice %arg7[%dma_wait3A_249, %dma_wait3A_250] : memref<400x128xf32, #tpu.memory_space<vmem_shared>> -> memref<400x128xf32, #tpu.memory_space<vmem_shared>>
      tpu.wait_indirect_dma semaphore(%arg36 : memref<!tpu.dma_semaphore, #tpu.memory_space<semaphore_mem>>) src(%dma_wait3A_251 : memref<400x128xf32, #tpu.memory_space<vmem_shared>>) dst(%arg21 : memref<128x128xf32, #tpu.memory_space<vmem>>)
      %sub3A_252 = arith.constant 1 : i32
      %sub3A_253 = arith.subi %add3A_248, %sub3A_252 : i32
      %mul3A_254 = arith.constant 128 : i32
      %mul3A_255 = arith.muli %sub3A_253, %mul3A_254 : i32
      %add3A_256 = arith.addi %mul3A_2, %mul3A_255 : i32
      %dma_start3A_257 = arith.constant 0 : i32
      %dma_start3A_258 = tpu.memref_slice %arg6[%add3A_256, %dma_start3A_257] : memref<819200x128xf32, #tpu.memory_space<hbm>> -> memref<128x128xf32, #tpu.memory_space<hbm>>
      %dma_start3A_259 = arith.constant 0 : i32
      %dma_start3A_260 = tpu.memref_slice %arg6[%add3A_256, %dma_start3A_259] : memref<819200x128xf32, #tpu.memory_space<hbm>> -> memref<128x128xf32, #tpu.memory_space<hbm>>
      tpu.enqueue_dma source(%arg21 : memref<128x128xf32, #tpu.memory_space<vmem>>) target(%dma_start3A_260 : memref<128x128xf32, #tpu.memory_space<hbm>>) target_semaphore(%arg41 : memref<!tpu.dma_semaphore, #tpu.memory_space<semaphore_mem>>)
      %dma_wait3A_261 = arith.constant 0 : i32
      %dma_wait3A_262 = arith.constant 0 : i32
      %dma_wait3A_263 = tpu.memref_slice %arg4[%dma_wait3A_261, %dma_wait3A_262] : memref<100000x128xf32, #tpu.memory_space<hbm>> -> memref<100000x128xf32, #tpu.memory_space<hbm>>
      tpu.wait_indirect_dma semaphore(%arg32 : memref<!tpu.dma_semaphore, #tpu.memory_space<semaphore_mem>>) src(%dma_wait3A_263 : memref<100000x128xf32, #tpu.memory_space<hbm>>) dst(%arg22 : memref<128x128xf32, #tpu.memory_space<vmem>>)
      %dma_start3A_264 = arith.constant 0 : i32
      %dma_start3A_265 = arith.constant 0 : i32
      %dma_start3A_266 = tpu.memref_slice %arg7[%dma_start3A_264, %dma_start3A_265] : memref<400x128xf32, #tpu.memory_space<vmem_shared>> -> memref<400x128xf32, #tpu.memory_space<vmem_shared>>
      tpu.enqueue_indirect_dma source(%dma_start3A_266 : memref<400x128xf32, #tpu.memory_space<vmem_shared>>) target(%arg22 : memref<128x128xf32, #tpu.memory_space<vmem>>) offsets(%arg17 : memref<128xi32, #tpu.memory_space<vmem>>) semaphore(%arg37 : memref<!tpu.dma_semaphore, #tpu.memory_space<semaphore_mem>>) {add = true}
      %le3A_267 = arith.constant 38 : i32
      %le3A_268 = arith.cmpi sle, %scan3A_98, %le3A_267 : i32
      %convert_element_type3A_269 = arith.extui %le3A_268 : i1 to i32
      %cond3A_270 = arith.constant 0 : i32
      %cond3A_271 = arith.cmpi ne, %convert_element_type3A_269, %cond3A_270 : i32
      scf.if %cond3A_271 {
        %sub3A_277 = arith.constant 2 : i32
        %sub3A_278 = arith.subi %add3A_248, %sub3A_277 : i32
        %mul3A_279 = arith.constant 128 : i32
        %mul3A_280 = arith.muli %sub3A_278, %mul3A_279 : i32
        %add3A_281 = arith.addi %mul3A_2, %mul3A_280 : i32
        %dma_wait3A_282 = arith.constant 0 : i32
        %dma_wait3A_283 = tpu.memref_slice %arg6[%add3A_281, %dma_wait3A_282] : memref<819200x128xf32, #tpu.memory_space<hbm>> -> memref<128x128xf32, #tpu.memory_space<hbm>>
        %dma_wait3A_284 = arith.constant 0 : i32
        %dma_wait3A_285 = tpu.memref_slice %arg6[%add3A_281, %dma_wait3A_284] : memref<819200x128xf32, #tpu.memory_space<hbm>> -> memref<128x128xf32, #tpu.memory_space<hbm>>
        tpu.wait_dma2 semaphore(%arg40 : memref<!tpu.dma_semaphore, #tpu.memory_space<semaphore_mem>>) src(%arg20 : memref<128x128xf32, #tpu.memory_space<vmem>>) dst(%dma_wait3A_285 : memref<128x128xf32, #tpu.memory_space<hbm>>)
        %add3A_286 = arith.constant 3 : i32
        %add3A_287 = arith.addi %add3A_248, %add3A_286 : i32
        %mul3A_288 = arith.constant 128 : i32
        %mul3A_289 = arith.muli %add3A_287, %mul3A_288 : i32
        %add3A_290 = arith.addi %mul3A_2, %mul3A_289 : i32
        %dma_wait3A_291 = tpu.memref_slice %arg2[%add3A_290] : memref<819200xi32, #tpu.memory_space<hbm>> -> memref<128xi32, #tpu.memory_space<hbm>>
        %dma_wait3A_292 = tpu.memref_slice %arg2[%add3A_290] : memref<819200xi32, #tpu.memory_space<hbm>> -> memref<128xi32, #tpu.memory_space<hbm>>
        tpu.wait_dma2 semaphore(%arg25 : memref<!tpu.dma_semaphore, #tpu.memory_space<semaphore_mem>>) src(%dma_wait3A_292 : memref<128xi32, #tpu.memory_space<hbm>>) dst(%arg10 : memref<128xi32, #tpu.memory_space<vmem>>)
        %dma_wait3A_293 = tpu.memref_slice %arg3[%add3A_290] : memref<819200xi32, #tpu.memory_space<hbm>> -> memref<128xi32, #tpu.memory_space<hbm>>
        %dma_wait3A_294 = tpu.memref_slice %arg3[%add3A_290] : memref<819200xi32, #tpu.memory_space<hbm>> -> memref<128xi32, #tpu.memory_space<hbm>>
        tpu.wait_dma2 semaphore(%arg25 : memref<!tpu.dma_semaphore, #tpu.memory_space<semaphore_mem>>) src(%dma_wait3A_294 : memref<128xi32, #tpu.memory_space<hbm>>) dst(%arg15 : memref<128xi32, #tpu.memory_space<vmem>>)
        %dma_start3A_295 = arith.constant 0 : i32
        %dma_start3A_296 = arith.constant 0 : i32
        %dma_start3A_297 = tpu.memref_slice %arg4[%dma_start3A_295, %dma_start3A_296] : memref<100000x128xf32, #tpu.memory_space<hbm>> -> memref<100000x128xf32, #tpu.memory_space<hbm>>
        tpu.enqueue_indirect_dma source(%dma_start3A_297 : memref<100000x128xf32, #tpu.memory_space<hbm>>) target(%arg20 : memref<128x128xf32, #tpu.memory_space<vmem>>) offsets(%arg10 : memref<128xi32, #tpu.memory_space<vmem>>) semaphore(%arg30 : memref<!tpu.dma_semaphore, #tpu.memory_space<semaphore_mem>>)
      } else {
      }
      %le3A_272 = arith.constant 38 : i32
      %le3A_273 = arith.cmpi sle, %scan3A_98, %le3A_272 : i32
      %convert_element_type3A_274 = arith.extui %le3A_273 : i1 to i32
      %cond3A_275 = arith.constant 0 : i32
      %cond3A_276 = arith.cmpi ne, %convert_element_type3A_274, %cond3A_275 : i32
      scf.if %cond3A_276 {
        %add3A_277 = arith.constant 4 : i32
        %add3A_278 = arith.addi %add3A_248, %add3A_277 : i32
        %mul3A_279 = arith.constant 128 : i32
        %mul3A_280 = arith.muli %add3A_278, %mul3A_279 : i32
        %add3A_281 = arith.addi %mul3A_2, %mul3A_280 : i32
        %dma_start3A_282 = tpu.memref_slice %arg2[%add3A_281] : memref<819200xi32, #tpu.memory_space<hbm>> -> memref<128xi32, #tpu.memory_space<hbm>>
        %dma_start3A_283 = tpu.memref_slice %arg2[%add3A_281] : memref<819200xi32, #tpu.memory_space<hbm>> -> memref<128xi32, #tpu.memory_space<hbm>>
        tpu.enqueue_dma source(%dma_start3A_283 : memref<128xi32, #tpu.memory_space<hbm>>) target(%arg11 : memref<128xi32, #tpu.memory_space<vmem>>) target_semaphore(%arg26 : memref<!tpu.dma_semaphore, #tpu.memory_space<semaphore_mem>>)
        %dma_start3A_284 = tpu.memref_slice %arg3[%add3A_281] : memref<819200xi32, #tpu.memory_space<hbm>> -> memref<128xi32, #tpu.memory_space<hbm>>
        %dma_start3A_285 = tpu.memref_slice %arg3[%add3A_281] : memref<819200xi32, #tpu.memory_space<hbm>> -> memref<128xi32, #tpu.memory_space<hbm>>
        tpu.enqueue_dma source(%dma_start3A_285 : memref<128xi32, #tpu.memory_space<hbm>>) target(%arg16 : memref<128xi32, #tpu.memory_space<vmem>>) target_semaphore(%arg26 : memref<!tpu.dma_semaphore, #tpu.memory_space<semaphore_mem>>)
      } else {
      }
    }
    %scan3A_58 = arith.constant 40 : i32
    %dma_wait3A_59 = arith.constant 0 : i32
    %dma_wait3A_60 = arith.constant 0 : i32
    %dma_wait3A_61 = tpu.memref_slice %arg7[%dma_wait3A_59, %dma_wait3A_60] : memref<400x128xf32, #tpu.memory_space<vmem_shared>> -> memref<400x128xf32, #tpu.memory_space<vmem_shared>>
    tpu.wait_indirect_dma semaphore(%arg37 : memref<!tpu.dma_semaphore, #tpu.memory_space<semaphore_mem>>) src(%dma_wait3A_61 : memref<400x128xf32, #tpu.memory_space<vmem_shared>>) dst(%arg22 : memref<128x128xf32, #tpu.memory_space<vmem>>)
    %add3A_62 = arith.constant 25472 : i32
    %add3A_63 = arith.addi %mul3A_2, %add3A_62 : i32
    %dma_start3A_64 = arith.constant 0 : i32
    %dma_start3A_65 = tpu.memref_slice %arg6[%add3A_63, %dma_start3A_64] : memref<819200x128xf32, #tpu.memory_space<hbm>> -> memref<128x128xf32, #tpu.memory_space<hbm>>
    %dma_start3A_66 = arith.constant 0 : i32
    %dma_start3A_67 = tpu.memref_slice %arg6[%add3A_63, %dma_start3A_66] : memref<819200x128xf32, #tpu.memory_space<hbm>> -> memref<128x128xf32, #tpu.memory_space<hbm>>
    tpu.enqueue_dma source(%arg22 : memref<128x128xf32, #tpu.memory_space<vmem>>) target(%dma_start3A_67 : memref<128x128xf32, #tpu.memory_space<hbm>>) target_semaphore(%arg42 : memref<!tpu.dma_semaphore, #tpu.memory_space<semaphore_mem>>)
    %add3A_68 = arith.constant 24960 : i32
    %add3A_69 = arith.addi %mul3A_2, %add3A_68 : i32
    %dma_wait3A_70 = arith.constant 0 : i32
    %dma_wait3A_71 = tpu.memref_slice %arg6[%add3A_69, %dma_wait3A_70] : memref<819200x128xf32, #tpu.memory_space<hbm>> -> memref<128x128xf32, #tpu.memory_space<hbm>>
    %dma_wait3A_72 = arith.constant 0 : i32
    %dma_wait3A_73 = tpu.memref_slice %arg6[%add3A_69, %dma_wait3A_72] : memref<819200x128xf32, #tpu.memory_space<hbm>> -> memref<128x128xf32, #tpu.memory_space<hbm>>
    tpu.wait_dma2 semaphore(%arg38 : memref<!tpu.dma_semaphore, #tpu.memory_space<semaphore_mem>>) src(%arg18 : memref<128x128xf32, #tpu.memory_space<vmem>>) dst(%dma_wait3A_73 : memref<128x128xf32, #tpu.memory_space<hbm>>)
    %add3A_74 = arith.constant 25088 : i32
    %add3A_75 = arith.addi %mul3A_2, %add3A_74 : i32
    %dma_wait3A_76 = arith.constant 0 : i32
    %dma_wait3A_77 = tpu.memref_slice %arg6[%add3A_75, %dma_wait3A_76] : memref<819200x128xf32, #tpu.memory_space<hbm>> -> memref<128x128xf32, #tpu.memory_space<hbm>>
    %dma_wait3A_78 = arith.constant 0 : i32
    %dma_wait3A_79 = tpu.memref_slice %arg6[%add3A_75, %dma_wait3A_78] : memref<819200x128xf32, #tpu.memory_space<hbm>> -> memref<128x128xf32, #tpu.memory_space<hbm>>
    tpu.wait_dma2 semaphore(%arg39 : memref<!tpu.dma_semaphore, #tpu.memory_space<semaphore_mem>>) src(%arg19 : memref<128x128xf32, #tpu.memory_space<vmem>>) dst(%dma_wait3A_79 : memref<128x128xf32, #tpu.memory_space<hbm>>)
    %add3A_80 = arith.constant 25216 : i32
    %add3A_81 = arith.addi %mul3A_2, %add3A_80 : i32
    %dma_wait3A_82 = arith.constant 0 : i32
    %dma_wait3A_83 = tpu.memref_slice %arg6[%add3A_81, %dma_wait3A_82] : memref<819200x128xf32, #tpu.memory_space<hbm>> -> memref<128x128xf32, #tpu.memory_space<hbm>>
    %dma_wait3A_84 = arith.constant 0 : i32
    %dma_wait3A_85 = tpu.memref_slice %arg6[%add3A_81, %dma_wait3A_84] : memref<819200x128xf32, #tpu.memory_space<hbm>> -> memref<128x128xf32, #tpu.memory_space<hbm>>
    tpu.wait_dma2 semaphore(%arg40 : memref<!tpu.dma_semaphore, #tpu.memory_space<semaphore_mem>>) src(%arg20 : memref<128x128xf32, #tpu.memory_space<vmem>>) dst(%dma_wait3A_85 : memref<128x128xf32, #tpu.memory_space<hbm>>)
    %add3A_86 = arith.constant 25344 : i32
    %add3A_87 = arith.addi %mul3A_2, %add3A_86 : i32
    %dma_wait3A_88 = arith.constant 0 : i32
    %dma_wait3A_89 = tpu.memref_slice %arg6[%add3A_87, %dma_wait3A_88] : memref<819200x128xf32, #tpu.memory_space<hbm>> -> memref<128x128xf32, #tpu.memory_space<hbm>>
    %dma_wait3A_90 = arith.constant 0 : i32
    %dma_wait3A_91 = tpu.memref_slice %arg6[%add3A_87, %dma_wait3A_90] : memref<819200x128xf32, #tpu.memory_space<hbm>> -> memref<128x128xf32, #tpu.memory_space<hbm>>
    tpu.wait_dma2 semaphore(%arg41 : memref<!tpu.dma_semaphore, #tpu.memory_space<semaphore_mem>>) src(%arg21 : memref<128x128xf32, #tpu.memory_space<vmem>>) dst(%dma_wait3A_91 : memref<128x128xf32, #tpu.memory_space<hbm>>)
    %add3A_92 = arith.constant 25472 : i32
    %add3A_93 = arith.addi %mul3A_2, %add3A_92 : i32
    %dma_wait3A_94 = arith.constant 0 : i32
    %dma_wait3A_95 = tpu.memref_slice %arg6[%add3A_93, %dma_wait3A_94] : memref<819200x128xf32, #tpu.memory_space<hbm>> -> memref<128x128xf32, #tpu.memory_space<hbm>>
    %dma_wait3A_96 = arith.constant 0 : i32
    %dma_wait3A_97 = tpu.memref_slice %arg6[%add3A_93, %dma_wait3A_96] : memref<819200x128xf32, #tpu.memory_space<hbm>> -> memref<128x128xf32, #tpu.memory_space<hbm>>
    tpu.wait_dma2 semaphore(%arg42 : memref<!tpu.dma_semaphore, #tpu.memory_space<semaphore_mem>>) src(%arg22 : memref<128x128xf32, #tpu.memory_space<vmem>>) dst(%dma_wait3A_97 : memref<128x128xf32, #tpu.memory_space<hbm>>)
    return
  }
}

module attributes {stable_mosaic.version = 14 : i64} {
  func.func @_prep_body(%arg0: memref<4096x200xi32, #tpu.memory_space<vmem>>, %arg1: memref<4096x200xi32, #tpu.memory_space<vmem>>, %arg2: memref<200x128xf32, #tpu.memory_space<vmem>>, %arg3: memref<2x128xf32, #tpu.memory_space<vmem>>, %arg4: memref<400x128xf32, #tpu.memory_space<vmem>>, %arg5: memref<4096x200xi32, #tpu.memory_space<vmem>>) attributes {dimension_semantics = [], scalar_prefetch = 0 : i64, scratch_operands = 0 : i64, tpu.core_type = #tpu.core_type<tc>} {
    %get3A = arith.constant 0 : index
    %get3A_0 = arith.constant 0 : index
    %get3A_1 = vector.load %arg2[%get3A, %get3A_0] : memref<200x128xf32, #tpu.memory_space<vmem>>, vector<200x128xf32>
    %get3A_2 = arith.constant 0 : index
    %get3A_3 = arith.constant 0 : index
    %get3A_4 = vector.load %arg3[%get3A_2, %get3A_3] : memref<2x128xf32, #tpu.memory_space<vmem>>, vector<1x128xf32>
    %add3A = vector.broadcast %get3A_4 : vector<1x128xf32> to vector<200x128xf32>
    %add3A_5 = arith.addf %get3A_1, %add3A : vector<200x128xf32>
    %swap3A = arith.constant 0 : index
    %swap3A_6 = arith.constant 0 : index
    %swap3A_7 = vector.load %arg4[%swap3A, %swap3A_6] : memref<400x128xf32, #tpu.memory_space<vmem>>, vector<200x128xf32>
    tpu.vector_store %arg4[%swap3A, %swap3A_6], %add3A_5 {strides = array<i32>} : memref<400x128xf32, #tpu.memory_space<vmem>>, vector<200x128xf32>,
    %get3A_8 = arith.constant 0 : index
    %get3A_9 = arith.constant 0 : index
    %get3A_10 = vector.load %arg2[%get3A_8, %get3A_9] : memref<200x128xf32, #tpu.memory_space<vmem>>, vector<200x128xf32>
    %get3A_11 = arith.constant 1 : index
    %get3A_12 = arith.constant 0 : index
    %get3A_13 = vector.load %arg3[%get3A_11, %get3A_12] : memref<2x128xf32, #tpu.memory_space<vmem>>, vector<1x128xf32>
    %add3A_14 = vector.broadcast %get3A_13 : vector<1x128xf32> to vector<200x128xf32>
    %add3A_15 = arith.addf %get3A_10, %add3A_14 : vector<200x128xf32>
    %swap3A_16 = arith.constant 200 : index
    %swap3A_17 = arith.constant 0 : index
    %swap3A_18 = vector.load %arg4[%swap3A_16, %swap3A_17] : memref<400x128xf32, #tpu.memory_space<vmem>>, vector<200x128xf32>
    tpu.vector_store %arg4[%swap3A_16, %swap3A_17], %add3A_15 {strides = array<i32>} : memref<400x128xf32, #tpu.memory_space<vmem>>, vector<200x128xf32>,
    %get3A_19 = arith.constant 0 : index
    %get3A_20 = arith.constant 0 : index
    %get3A_21 = vector.load %arg1[%get3A_19, %get3A_20] : memref<4096x200xi32, #tpu.memory_space<vmem>>, vector<4096x200xi32>
    %mul3A = arith.constant 200 : i32
    %mul3A_22 = vector.broadcast %mul3A : i32 to vector<4096x200xi32>
    %mul3A_23 = arith.muli %get3A_21, %mul3A_22 : vector<4096x200xi32>
    %get3A_24 = arith.constant 0 : index
    %get3A_25 = arith.constant 0 : index
    %get3A_26 = vector.load %arg0[%get3A_24, %get3A_25] : memref<4096x200xi32, #tpu.memory_space<vmem>>, vector<4096x200xi32>
    %add3A_27 = arith.addi %mul3A_23, %get3A_26 : vector<4096x200xi32>
    %swap3A_28 = arith.constant 0 : index
    %swap3A_29 = arith.constant 0 : index
    %swap3A_30 = vector.load %arg5[%swap3A_28, %swap3A_29] : memref<4096x200xi32, #tpu.memory_space<vmem>>, vector<4096x200xi32>
    tpu.vector_store %arg5[%swap3A_28, %swap3A_29], %add3A_27 {strides = array<i32>} : memref<4096x200xi32, #tpu.memory_space<vmem>>, vector<4096x200xi32>,
    return
  }
}

</mosaic_0001>

<sc_bundles>
// kernel: kernel.4.cloned.1.call-start
scs
__scs_entry_jumppad:
0x0: {  	(pc) =	sbr.rel $0x88, $3  }
0x1: {  	(tag) =	ssettag $0x0;
	lr =	simm.s32 $0x1  }
0x2: {  	[smem:$0x3F9B] =	sst lr;
	_ =	strace $0xD0000000  }
0x3: {  	_ = 	snop  }
0x4: {  	_ = 	snop  }
0x5: {  	_ = 	snop  }
0x6: {  	_ = 	snop  }
0x7: {  	_ = 	snop  }
__scs_overlays_trampoline_lowered:
0x8: {  	[smem:$0x3FAA] =	sst s0  }
0x9: {  	[smem:$0x3FAB] =	sst s1  }
0xa: {  	[smem:$0x3FAC] =	sst s2  }
0xb: {  	[smem:$0x3FAD] =	sst s3  }
0xc: {  	[smem:$0x3FAE] =	sst s4  }
0xd: {  	[smem:$0x3FAF] =	sst s5  }
0xe: {  	[smem:$0x3FB0] =	sst s6  }
0xf: {  	[smem:$0x3FB1] =	sst s7  }
0x10: {  	[smem:$0x3FB2] =	sst s8  }
0x11: {  	[smem:$0x3FB3] =	sst s9;
	s0 =	simm.s32 @!p0 $0x0  }
0x12: {  	s1 =	sld [smem:$0x3F99];
	s0 =	simm.s32 @p0 $0x1  }
0x13: {  	[smem:$0x3FB4] =	sst s0;
	s0 =	simm.s32 @!p1 $0x0  }
0x14: {  	s2 =	sld [smem:$0x3F98];
	s0 =	simm.s32 @p1 $0x1  }
0x15: {  	[smem:$0x3FB5] =	sst s0;
	s0 =	simm.s32 @!p2 $0x0  }
0x16: {  	s3 =	sld [smem:$0x3FDB];
	s0 =	simm.s32 @p2 $0x1  }
0x17: {  	s4 =	simm.s32 $0x1BF5;
	[smem:$0x3FB7] =	sst s0  }
0x18: {  	s0 =	sld [smem:$0x3F9A];
	_ =	swait.ge [sflag:s4], $0x0  }
0x19: {  	s7 =	sld [smem:$0x3F9B]  }
0x1a: {  	s8 =	sadd.s32 $0xFFFFE003, lr  }
0x1b: {  	s9 =	sadd.s32 $0xFFFFFEF7, lr;
	s5 =	simm.s32 $0xFFFFFFFF;
	p2 =	slt.u32 s8, $0xFFFFF086  }
0x1c: {  	p1 =	slt.u32 s9, $0xF7A;
	s5 =	simm.s32 @!p2 $0x0  }
0x1d: {  	s5 =	simm.s32 @p1 $0x1;
	p0 =	seq.s32 s7, s2  }
0x1e: {  	s7 =	smul.u32 @!p0 $0xF7A, s2;
	p2 =	seq.s32 @!p0 s5, $0x0  }
0x1f: {  	s9 =	smul.u32 $0xF7A, s1;
	s8 =	simm.s32 @!p0 $0x1BF5;
	p2 =	por !p2, p0  }
0x20: {  	[sflag:s8] =	ssyncset.s32 @!p0 $0xFFFFF086;
	s6 =	sadd.s32 @!p0 s3, s7;
	s7 =	simm.s32 @!p0 $0x108  }
0x21: {  	s3 =	sadd.s32 s3, s9;
	s6 =	sadd.s32 @!p0 $0x88, s6;
	s7 =	simm.s32 @p2 $0x1082  }
0x22: {  	[simem:s7], [sflag:s8] =	dma.local @!p0 [hbm:s6], $0xF7A  }
0x23: {  	s9 =	sor.u32 $0xD0000000, s2;
	s6 =	simm.s32 $0x108;
	_ =	swait.ge @!p0 [sflag:s8], $0x0  }
0x24: {  	s3 =	sadd.s32 $0x88, s3;
	s6 =	simm.s32 @!p1 $0x1082;
	[sflag:s4] =	ssyncset.s32 $0xFFFFF086  }
0x25: {  	[simem:s6], [sflag:s4] =	dma.local [hbm:s3], $0xF7A  }
0x26: {  	[smem:$0x3F9B] =	sst s1;
	(tag) =	ssettag s2;
	_ =	strace s9  }
0x27: {  	s1 =	sld [smem:$0x3FAB]  }
0x28: {  	s2 =	sld [smem:$0x3FAC]  }
0x29: {  	s4 =	sld [smem:$0x3FAE]  }
0x2a: {  	p0 =	seq.s32 s5, $0x0;
	s5 =	sld [smem:$0x3FAF]  }
0x2b: {  	s6 =	sld [smem:$0x3FB0]  }
0x2c: {  	s7 =	sld [smem:$0x3FB1]  }
0x2d: {  	s3 =	simm.s32 $0x108;
	s8 =	sld [smem:$0x3FB2]  }
0x2e: {  	s3 =	simm.s32 @!p0 $0x1082;
	s9 =	sld [smem:$0x3FB3]  }
0x2f: {  	lr =	sadd.s32 s0, s3;
	s0 =	sld [smem:$0x3FAA]  }
0x30: {  	s3 =	sld [smem:$0x3FAD]  }
0x31: {  	[smem:$0x3FB6] =	sst s10  }
0x32: {  	s10 =	sld [smem:$0x3FB4];
	_ =	sdelay $0x3  }
0x33: {  	p0 =	seq.s32 s10, $0x1;
	s10 =	sld [smem:$0x3FB6];
	_ =	sdelay $0x3  }
0x34: {  	[smem:$0x3FB6] =	sst s10  }
0x35: {  	s10 =	sld [smem:$0x3FB5];
	_ =	sdelay $0x3  }
0x36: {  	p1 =	seq.s32 s10, $0x1;
	s10 =	sld [smem:$0x3FB6];
	_ =	sdelay $0x3  }
0x37: {  	[smem:$0x3FB6] =	sst s10  }
0x38: {  	s10 =	sld [smem:$0x3FB7]  }
0x39: {  	_ = 	snop;
	(pc) =	sbr.ind lr, $3  }
0x3a: {  	_ = 	snop  }
0x3b: {  	_ = 	snop  }
0x3c: {  	p2 =	seq.s32 s10, $0x1;
	s10 =	sld [smem:$0x3FB6]  }
0x3d: {  	_ =	shalt  }
0x3e: {  	_ =	shalt  }
0x3f: {  	_ =	shalt  }
0x40: {  	_ =	shalt  }
0x41: {  	_ =	shalt  }
0x42: {  	_ =	shalt  }
0x43: {  	_ =	shalt  }
0x44: {  	_ =	shalt  }
0x45: {  	_ =	shalt  }
0x46: {  	_ =	shalt  }
0x47: {  	_ =	shalt  }
0x48: {  	_ =	shalt  }
0x49: {  	_ =	shalt  }
0x4a: {  	_ =	shalt  }
0x4b: {  	_ =	shalt  }
0x4c: {  	_ =	shalt  }
0x4d: {  	_ =	shalt  }
0x4e: {  	_ =	shalt  }
0x4f: {  	_ =	shalt  }
0x50: {  	_ =	shalt  }
0x51: {  	_ =	shalt  }
0x52: {  	_ =	shalt  }
0x53: {  	_ =	shalt  }
0x54: {  	_ =	shalt  }
0x55: {  	_ =	shalt  }
0x56: {  	_ =	shalt  }
0x57: {  	_ =	shalt  }
0x58: {  	_ =	shalt  }
0x59: {  	_ =	shalt  }
0x5a: {  	_ =	shalt  }
0x5b: {  	_ =	shalt  }
0x5c: {  	_ =	shalt  }
0x5d: {  	_ =	shalt  }
0x5e: {  	_ =	shalt  }
0x5f: {  	_ =	shalt  }
0x60: {  	_ =	shalt  }
0x61: {  	_ =	shalt  }
0x62: {  	_ =	shalt  }
0x63: {  	_ =	shalt  }
0x64: {  	_ =	shalt  }
0x65: {  	_ =	shalt  }
0x66: {  	_ =	shalt  }
0x67: {  	_ =	shalt  }
0x68: {  	_ =	shalt  }
0x69: {  	_ =	shalt  }
0x6a: {  	_ =	shalt  }
0x6b: {  	_ =	shalt  }
0x6c: {  	_ =	shalt  }
0x6d: {  	_ =	shalt  }
0x6e: {  	_ =	shalt  }
0x6f: {  	_ =	shalt  }
0x70: {  	_ =	shalt  }
0x71: {  	_ =	shalt  }
0x72: {  	_ =	shalt  }
0x73: {  	_ =	shalt  }
0x74: {  	_ =	shalt  }
0x75: {  	_ =	shalt  }
0x76: {  	_ =	shalt  }
0x77: {  	_ =	shalt  }
0x78: {  	_ =	shalt  }
0x79: {  	_ =	shalt  }
0x7a: {  	_ =	shalt  }
0x7b: {  	_ =	shalt  }
0x7c: {  	_ =	shalt  }
0x7d: {  	_ =	shalt  }
0x7e: {  	_ =	shalt  }
0x7f: {  	_ =	shalt  }
0x80: {  	_ =	shalt  }
0x81: {  	_ =	shalt  }
0x82: {  	_ =	shalt  }
0x83: {  	_ =	shalt  }
0x84: {  	_ =	shalt  }
0x85: {  	_ =	shalt  }
0x86: {  	_ =	shalt  }
0x87: {  	_ =	shalt  }
.Lfunc_end0:
.L_simem_size_0:
called_computation_lowered:
.L_overlay_start_0:
0x88: {  	s2 =	sld [smem:$0x3FD9]  }
0x89: {  	s3 =	sld [smem:$0x3FFE];
	_ =	sdelay $0x1  }
0x8a: {  	s1 =	srdreg.scid  }
0x8b: {  	s0 =	sand.u32 $0x1, s1  }
0x8c: {  	s17 =	sshll.u32 s0, $0xA;
	s2 =	sadd.s32 s3, s2  }
0x8d: {  	s2 =	sadd.s32 s2, s17  }
0x8e: {  	[smem:$0x3FC2] =	sst s2  }
0x8f: {  	_ = 	snop  }
0x90: {  	s2 =	sld [smem:$0x3FC6]  }
0x91: {  	s18 =	sld [smem:$0x3FD0];
	(tm) =	ssettm $0x1  }
0x92: {  	s4 =	sld [smem:$0x3FFB];
	_ =	sdelay $0x3  }
0x93: {  	_ =	strace s4  }
0x94: {  	s4 =	sld [smem:$0x3FFC];
	_ =	sdelay $0x3  }
0x95: {  	_ =	strace s4  }
0x96: {  	s4 =	sld [smem:$0x3FFD];
	_ =	sdelay $0x3  }
0x97: {  	_ =	strace s4  }
0x98: {  	_ =	strace $0x8FFFFFFF  }
0x99: {  	s19 =	sld [smem:$0x3FDB];
	_ =	sdelay $0x1  }
0x9a: {  	s5 =	simm.s32 $_scs_section_size  }
0x9b: {  	s6 =	simm.s32 $_size__tile_overlayer_lowered;
	s7 =	simm.s32 $_tile_overlayer_lowered  }
0x9c: {  	s22 =	simm.s32 $0x1BFF;
	s21 =	sshll.u32 s7, $0x1;
	s4 =	sadd.s32 s5, s19  }
0x9d: {  	s8 =	simm.s32 $0x0;
	s20 =	sshll.u32 s6, $0x1;
	s6 =	sadd.s32 s21, s4  }
0x9e: {  	[timem:s8], [sflag:s22] =	dma.local [hbm:s6], s20  }
0x9f: {  	_ =	swait.ge [sflag:s22], s20  }
0xa0: {  	s5 =	ssub.s32 $0x0, s20;
	[sflag:s22] =	ssyncset.done $0x0  }
0xa1: {  	[sflag:s22] =	ssyncadd.s32 s5;
	_ =	sdelay $0x1  }
0xa2: {  	s23 =	simm.s32 $0x1B8B  }
0xa3: {  	_ =	swait.ge [sflag:s23], $0x1  }
0xa4: {  	[sflag:s23] =	ssyncset.done $0x0  }
0xa5: {  	s25 =	simm.s32 $0x1B8E;
	s24 =	sld [smem:$0x3FFE];
	[sflag:s23] =	ssyncadd.s32 $0xFFFFFFFF  }
0xa6: {  	s26 =	simm.s32 $execute0_lowered;
	[smem:$0x3FD2] =	sst s25  }
0xa7: {  	s6 =	sshll.u32 s26, $0x1;
	_ =	strace $0x80000046;
	[dreg:$0x1] =	wrdreg $0xFFFFFFFF  }
0xa8: {  	s28 =	simm.s32 $_size_execute0_lowered;
	s4 =	sadd.s32 s4, s6;
	[dreg:$0x0] =	wrdreg $0x0  }
0xa9: {  	s6 =	sshll.u32 s28, $0x1;
	[dreg:$0x2] =	wrdreg s4  }
0xaa: {  	[dreg:$0x3] =	wrdreg s6  }
0xab: {  	[dreg:$0x4] =	wrdreg $0xC0  }
0xac: {  	_ =	task [dreg:s8], $0x5FFFF  }
0xad: {  	[dreg:$0x1] =	wrdreg $0xFFFFFFFF  }
0xae: {  	[dreg:$0x0] =	wrdreg $0x60  }
0xaf: {  	[dreg:$0x2] =	wrdreg s24  }
0xb0: {  	[dreg:$0x3] =	wrdreg s2  }
0xb1: {  	[dreg:$0x4] =	wrdreg s18  }
0xb2: {  	[dreg:$0x5] =	wrdreg $0x0  }
0xb3: {  	[dreg:$0x6] =	wrdreg $0x9  }
0xb4: {  	_ =	task.clear_ibuf [dreg:s8], $0x7FFFF;
	_ =	strace $0x90000046  }
0xb5: {  	s29 =	simm.s32 $0x9;
	_ =	strace $0x80000048  }
0xb6: {  	_ =	swait.ge [sflag:s29], $0x1  }
0xb7: {  	[sflag:s29] =	ssyncadd.s32 $0xFFFFFFFF  }
0xb8: {  	_ =	strace $0x90000048  }
0xb9: {  	_ =	sfence  }
0xba: {  	s30 =	sld [smem:$0x0];
	_ =	sdelay $0x2  }
0xbb: {  	s31 =	sshll.u32 s1, $0xD;
	s1 =	sshrl.u32 s1, $0x2  }
0xbc: {  	s3 =	sand.u32 $0x4000, s31;
	s1 =	sadd.s32 s1, s30  }
0xbd: {  	s0 =	sor.u32 s3, s0;
	s1 =	sshll.u32 s1, $0x11  }
0xbe: {  	s0 =	sor.u32 s1, s0  }
0xbf: {  	s0 =	sadd.s32 $0x8F2B, s0  }
0xc0: {  	[sflag:s0] =	ssyncadd.remote.s32 $0x1  }
0xc1: {  	_ =	sfence.sel $0xFFFF  }
0xc2: {  	[dreg:$0x0] =	wrdreg $0xFFFFFFFF;
	(pc) =	sbr.abs _section_cstart, $3  }
0xc3: {  	[dreg:$0x1] =	wrdreg $0xFFFFFFFF  }
0xc4: {  	_ =	task.clear_ibuf [dreg:s8], $0x2FFFF;
	_ =	strace $0x9FFFFFFF  }
0xc5: {  	(tm) =	ssettm $0x7FFFFFFF  }
tec
execute0_lowered:
.L_overlay_start_1:
0x0: {  	(tag) =	ssettag $0x1  }
0x1: {  	s0 =	rddreg [dreg:$0x0]  }
0x2: {  	s1 =	rddreg [dreg:$0x1]  }
0x3: {  	s2 =	rddreg [dreg:$0x2]  }
0x4: {  	s3 =	rddreg [dreg:$0x3]  }
0x5: {  	s5 =	srdreg.scid;
	s8 =	stileid.u32  }
0x6: {  	s4 =	simm.s32 $0x0;
	s31 =	simm.s32 $0xE00;
	s30 =	simm.s32 $0x5180  }
0x7: {  	s29 =	simm.s32 $0x4;
	s5 =	sand.u32 $0x1, s5;
	s6 =	sshll.u32 s8, $0x1  }
0x8: {  	[smem:$0x7FF] =	sst s4;
	s7 =	sadd.s32 $0x1BA00, s0;
	s16 =	smul.u32 $0xC8000, s8  }
0x9: {  	p0 =	sne.s32 s8, $0x0;
	s8 =	simm.s32 $0xC;
	s9 =	sor.u32 s5, s6  }
0xa: {  	_ =	strace $0x80000047;
	s10 =	ssub.s32 $0x2, s5;
	s5 =	smul.u32 $0x64000, s5  }
0xb: {  	s6 =	sadd.s32 $0x1000, s0;
	s0 =	sadd.s32 $0x1A000, s0;
	s12 =	smul.u32 $0x6400, s9  }
0xc: {  	s11 =	sshrl.u32 s10, $0x1;
	[dreg:$0x6] =	wrdreg s0;
	s9 =	smul.u32 $0x320000, s9  }
0xd: {  	s20 =	sadd.s32 s16, s2;
	s17 =	sor.u32 $0x180, s12;
	[dreg:$0x5] =	wrdreg s12  }
0xe: {  	s16 =	simm.s32 $0x3;
	s18 =	sor.u32 $0x200, s12;
	[dreg:$0xf] =	wrdreg s17  }
0xf: {  	s0 =	ssub.s32 s10, s11;
	s19 =	sor.u32 $0x280, s12;
	[dreg:$0x10] =	wrdreg s18  }
0x10: {  	s5 =	sadd.s32 s5, s20;
	s21 =	sor.u32 $0x80, s12;
	[dreg:$0x11] =	wrdreg s19  }
0x11: {  	s20 =	simm.s32 $0x12;
	s22 =	sor.u32 $0x300, s12;
	[dreg:$0x12] =	wrdreg s21  }
0x12: {  	s23 =	sshrl.u32 s12, $0x3;
	s0 =	smax.u32 s0, $0x1;
	[dreg:$0x13] =	wrdreg s22  }
0x13: {  	s24 =	sadd.s32 s6, s23;
	s25 =	sadd.s32 s7, s23;
	[dreg:$0x16] =	wrdreg s0  }
0x14: {  	s26 =	sor.u32 $0x10, s23;
	s28 =	sor.u32 $0x20, s23;
	[dreg:$0x7] =	wrdreg s24  }
0x15: {  	s10 =	sor.u32 $0x30, s23;
	s23 =	sor.u32 $0x100, s12;
	[dreg:$0x8] =	wrdreg s25  }
0x16: {  	s9 =	sshrl.u32 s9, $0x3;
	s13 =	sadd.s32 s6, s26;
	[dreg:$0x14] =	wrdreg s23  }
0x17: {  	s9 =	sadd.s32 s2, s9;
	s11 =	sadd.s32 s7, s26;
	[dreg:$0x9] =	wrdreg s13  }
0x18: {  	s0 =	simm.s32 $0x5;
	s14 =	sadd.s32 s6, s28;
	[dreg:$0xa] =	wrdreg s11  }
0x19: {  	s17 =	simm.s32 $0x9;
	s15 =	sadd.s32 s6, s10;
	[dreg:$0xb] =	wrdreg s14  }
0x1a: {  	s18 =	simm.s32 $0xE;
	s10 =	sadd.s32 s7, s10;
	[dreg:$0xd] =	wrdreg s15  }
0x1b: {  	s19 =	simm.s32 $0xA;
	s24 =	sadd.s32 $0x63800, s9;
	[dreg:$0xe] =	wrdreg s10  }
0x1c: {  	s25 =	sadd.s32 $0xFFFFF800, s5;
	s26 =	sor.u32 $0x380, s12;
	[dreg:$0x15] =	wrdreg s24  }
.Ltmp0:
0x1d: {  	s23 =	simm.s32 $0x9180;
	[dreg:$0x17] =	wrdreg s25;
	(pc) =	sbr.rel .LBB2_1-.Ltmp0, $4  }
0x1e: {  	s5 =	simm.s32 $0xD;
	s11 =	sadd.s32 s7, s28;
	[dreg:$0x18] =	wrdreg s26  }
0x1f: {  	s28 =	sadd.s32 $0x400, s12;
	s25 =	simm.s32 $0x1080;
	s12 =	simm.s32 $0x80  }
0x20: {  	s13 =	simm.s32 $0x8;
	s24 =	simm.s32 $0x9180;
	[dreg:$0xc] =	wrdreg s11  }
0x21: {  	s14 =	simm.s32 $0x11180;
	[dreg:$0x19] =	wrdreg s28;
	s11 =	simm.s32 $0x0  }
.LBB2_4:
0x22: {  	s9 =	simm.s32 $0xF  }
0x23: {  	_ =	swait.ge [sflag:s9], $0x4000  }
0x24: {  	[sflag:s9] =	ssyncset.done $0x0  }
0x25: {  	s22 =	simm.s32 $0x10;
	s21 =	rddreg [dreg:$0x15];
	[sflag:s9] =	ssyncadd.s32 $0xFFFFC000  }
0x26: {  	[hbm4b:s21+s4] =	stream.linear.scatter [tilespmem:s10], [sflag:$0x14], $0x4000, $0x38;
	[tilespmem:$0x15180] =	vst v63  }
0x27: {  	_ =	swait.ge [sflag:s22], $0x4000  }
0x28: {  	[sflag:s22] =	ssyncset.done $0x0  }
0x29: {  	s23 =	simm.s32 $0x11;
	[sflag:s22] =	ssyncadd.s32 $0xFFFFC000  }
0x2a: {  	_ =	swait.ge [sflag:s23], $0x4000  }
0x2b: {  	[sflag:s23] =	ssyncset.done $0x0  }
0x2c: {  	[sflag:s23] =	ssyncadd.s32 $0xFFFFC000  }
0x2d: {  	_ =	swait.ge [sflag:s20], $0x4000  }
0x2e: {  	[sflag:s20] =	ssyncset.done $0x0  }
0x2f: {  	s25 =	simm.s32 $0x13;
	[sflag:s20] =	ssyncadd.s32 $0xFFFFC000  }
0x30: {  	_ =	swait.ge [sflag:s25], $0x4000  }
0x31: {  	[sflag:s25] =	ssyncset.done $0x0  }
0x32: {  	s26 =	simm.s32 $0x14;
	[sflag:s25] =	ssyncadd.s32 $0xFFFFC000  }
0x33: {  	_ =	swait.ge [sflag:s26], $0x4000  }
0x34: {  	s11 =	rddreg [dreg:$0x1a]  }
0x35: {  	s28 =	rddreg [dreg:$0x16];
	s11 =	sadd.s32 $0x1, s11  }
0x36: {  	p1 =	sne.s32 s11, s28  }
.Ltmp1:
0x37: {  	_ = 	snop;
	(pc) =	sbr.rel @!p1 .LBB2_5-.Ltmp1, $3  }
0x38: {  	_ =	sdelay $0x1  }
0x39: {  	s31 =	simm.s32 $0xE00;
	[sflag:s26] =	ssyncset.done $0x0  }
0x3a: {  	s23 =	simm.s32 $0x9180;
	s25 =	simm.s32 $0x1080;
	[sflag:s26] =	ssyncadd.s32 $0xFFFFC000  }
.LBB2_1:
0x3b: {  	[dreg:$0x1a] =	wrdreg s11  }
0x3c: {  	s21 =	sshrl.u32 @!p0 s3, $0x3;
	s22 =	simm.s32 @!p0 $0x1C15;
	s9 =	rddreg [dreg:$0x6]  }
0x3d: {  	[spmem:s21], [sflag:s22] =	dma.local @!p0 [hbm:s9], $0x1900  }
0x3e: {  	s21 =	simm.s32 @!p0 $0x15  }
0x3f: {  	_ =	swait.ge @!p0 [sflag:s21], $0x1900  }
0x40: {  	[sflag:s21] =	ssyncset.done @!p0 $0x0  }
0x41: {  	[sflag:s21] =	ssyncadd.s32 @!p0 $0xFFFFE700  }
0x42: {  	[bflag:$0x0] =	sbarrier.arrive $0xFFFF  }
0x43: {  	s10 =	simm.s32 $0xC80;
	s15 =	rddreg [dreg:$0x7]  }
0x44: {  	[tilespmem:s10], [sflag:$0x1] =	stream.linear.gather [hbm4b:s15+s4], $0x80, $0x38;
	[tilespmem:$0x15180] =	vst v63  }
0x45: {  	s21 =	rddreg [dreg:$0x8];
	s15 =	simm.s32 $0xF00  }
0x46: {  	[tilespmem:s15], [sflag:$0x1] =	stream.linear.gather [hbm4b:s21+s4], $0x80, $0x38;
	[tilespmem:$0x15180] =	vst v63  }
0x47: {  	s22 =	rddreg [dreg:$0x9];
	s15 =	simm.s32 $0xD00  }
0x48: {  	[tilespmem:s15], [sflag:$0x2] =	stream.linear.gather [hbm4b:s22+s4], $0x80, $0x38;
	[tilespmem:$0x15180] =	vst v63  }
0x49: {  	s11 =	simm.s32 $0xF80;
	s26 =	rddreg [dreg:$0xa]  }
0x4a: {  	[tilespmem:s11], [sflag:$0x2] =	stream.linear.gather [hbm4b:s26+s4], $0x80, $0x38;
	[tilespmem:$0x15180] =	vst v63  }
0x4b: {  	s21 =	simm.s32 $0xD80;
	s22 =	rddreg [dreg:$0xb]  }
0x4c: {  	[tilespmem:s21], [sflag:$0x3] =	stream.linear.gather [hbm4b:s22+s4], $0x80, $0x38;
	[tilespmem:$0x15180] =	vst v63  }
0x4d: {  	s26 =	rddreg [dreg:$0xc];
	s11 =	simm.s32 $0x1000  }
0x4e: {  	[tilespmem:s11], [sflag:$0x3] =	stream.linear.gather [hbm4b:s26+s4], $0x80, $0x38;
	[tilespmem:$0x15180] =	vst v63  }
0x4f: {  	s26 =	rddreg [dreg:$0xd]  }
0x50: {  	[tilespmem:s31], [sflag:$0x4] =	stream.linear.gather [hbm4b:s26+s4], $0x80, $0x38;
	[tilespmem:$0x15180] =	vst v63  }
0x51: {  	s22 =	simm.s32 $0x1;
	s11 =	rddreg [dreg:$0xe]  }
0x52: {  	[tilespmem:s25], [sflag:$0x4] =	stream.linear.gather [hbm4b:s11+s4], $0x80, $0x38;
	[tilespmem:$0x15180] =	vst v63  }
0x53: {  	_ =	swait.ge [sflag:s22], $0x80  }
0x54: {  	[sflag:s22] =	ssyncset.done $0x0  }
0x55: {  	[sflag:s22] =	ssyncadd.s32 $0xFFFFFF80  }
0x56: {  	_ =	swait.ge [sflag:s22], $0x80  }
0x57: {  	[sflag:s22] =	ssyncset.done $0x0  }
0x58: {  	s26 =	simm.s32 $0x2;
	s25 =	simm.s32 $0x1180;
	[sflag:s22] =	ssyncadd.s32 $0xFFFFFF80  }
0x59: {  	[tilespmem:s25], [sflag:$0x6] =	stream.indirect.gather [hbm4b:s1+s12], $0x80, s10, s12, $0xb8;
	[tilespmem:$0x15180] =	vst v63  }
0x5a: {  	_ =	swait.ge [sflag:s26], $0x80  }
0x5b: {  	[sflag:s26] =	ssyncset.done $0x0  }
0x5c: {  	[sflag:s26] =	ssyncadd.s32 $0xFFFFFF80  }
0x5d: {  	_ =	swait.ge [sflag:s26], $0x80  }
0x5e: {  	[sflag:s26] =	ssyncset.done $0x0  }
0x5f: {  	[sflag:s26] =	ssyncadd.s32 $0xFFFFFF80  }
0x60: {  	[tilespmem:s30], [sflag:$0x7] =	stream.indirect.gather [hbm4b:s1+s12], $0x80, s15, s12, $0xb8;
	[tilespmem:$0x15180] =	vst v63  }
0x61: {  	_ =	swait.ge [sflag:s16], $0x80  }
0x62: {  	[sflag:s16] =	ssyncset.done $0x0  }
0x63: {  	[sflag:s16] =	ssyncadd.s32 $0xFFFFFF80  }
0x64: {  	_ =	swait.ge [sflag:s16], $0x80  }
0x65: {  	[sflag:s16] =	ssyncset.done $0x0  }
0x66: {  	s22 =	simm.s32 $0x0;
	s28 =	rddreg [dreg:$0x17];
	[sflag:s16] =	ssyncadd.s32 $0xFFFFFF80  }
0x67: {  	[tilespmem:s23], [sflag:$0x8] =	stream.indirect.gather [hbm4b:s1+s12], $0x80, s21, s12, $0xb8;
	[tilespmem:$0x15180] =	vst v63  }
.LBB2_2:
0x68: {  	p1 =	seq.s32 s22, $0x0  }
0x69: {  	s21 =	simm.s32 @p1 $0x6  }
0x6a: {  	_ =	swait.ge @p1 [sflag:s21], $0x4000  }
0x6b: {  	s26 =	simm.s32 @p1 $0xF00;
	[sflag:s21] =	ssyncset.done @p1 $0x0  }
0x6c: {  	s9 =	simm.s32 @p1 $0x1180;
	[sflag:s21] =	ssyncadd.s32 @p1 $0xFFFFC000;
	s21 =	simm.s32 @p1 $0x80  }
0x6d: {  	[tilespmem:s9], [sflag:$0xB] =	stream.indirect.gather.add.f32 @p1 [spmem:s3], $0x80, s26, s21, $0xb8;
	[tilespmem:$0x15180] =	vst v63  }
0x6e: {  	s9 =	simm.s32 @!p1 $0xF  }
0x6f: {  	_ =	swait.ge @!p1 [sflag:s9], $0x4000  }
0x70: {  	[sflag:s9] =	ssyncset.done @!p1 $0x0  }
0x71: {  	s21 =	simm.s32 @!p1 $0x11180;
	[sflag:s9] =	ssyncadd.s32 @!p1 $0xFFFFC000;
	s9 =	simm.s32 @!p1 $0x0  }
0x72: {  	[hbm4b:s28+s9] =	stream.linear.scatter @!p1 [tilespmem:s21], [sflag:$0x14], $0x4000, $0x38;
	[tilespmem:$0x15180] =	vst v63  }
0x73: {  	s9 =	simm.s32 @!p1 $0x6  }
0x74: {  	_ =	swait.ge @!p1 [sflag:s9], $0x4000  }
0x75: {  	s26 =	simm.s32 @!p1 $0x1180;
	[sflag:s9] =	ssyncset.done @!p1 $0x0  }
0x76: {  	s21 =	simm.s32 @!p1 $0xF00;
	[sflag:s9] =	ssyncadd.s32 @!p1 $0xFFFFC000;
	s9 =	simm.s32 @!p1 $0x80  }
0x77: {  	[tilespmem:s26], [sflag:$0xB] =	stream.indirect.gather.add.f32 @!p1 [spmem:s3], $0x80, s21, s9, $0xb8;
	[tilespmem:$0x15180] =	vst v63  }
0x78: {  	s9 =	simm.s32 @!p1 $0x13  }
0x79: {  	_ =	swait.ge @!p1 [sflag:s9], $0x4000  }
0x7a: {  	[sflag:s9] =	ssyncset.done @!p1 $0x0  }
0x7b: {  	[sflag:s9] =	ssyncadd.s32 @!p1 $0xFFFFC000  }
0x7c: {  	_ =	swait.ge [sflag:s29], $0x80  }
0x7d: {  	[sflag:s29] =	ssyncset.done $0x0  }
0x7e: {  	[sflag:s29] =	ssyncadd.s32 $0xFFFFFF80  }
0x7f: {  	s21 =	smov.u32 s22;
	_ =	swait.ge [sflag:s29], $0x80  }
0x80: {  	s21 =	simm.s32 @p1 $0x0;
	[sflag:s29] =	ssyncset.done $0x0;
	s23 =	rddreg [dreg:$0x10]  }
0x81: {  	s11 =	simm.s32 $0xD180;
	[sflag:s29] =	ssyncadd.s32 $0xFFFFFF80;
	s9 =	sadd.s32 s21, s23  }
0x82: {  	[tilespmem:s11], [sflag:$0x9] =	stream.indirect.gather [hbm4b:s1+s12], $0x80, s31, s12, $0xb8;
	[tilespmem:$0x15180] =	vst v63  }
0x83: {  	s9 =	sshrl.u32 s9, $0x3  }
0x84: {  	s15 =	simm.s32 $0xE80;
	s25 =	sadd.s32 s6, s9  }
0x85: {  	[tilespmem:s15], [sflag:$0x5] =	stream.linear.gather [hbm4b:s25+s4], $0x80, $0x38;
	[tilespmem:$0x15180] =	vst v63  }
0x86: {  	s10 =	simm.s32 $0xB;
	s23 =	simm.s32 $0x1100;
	s9 =	sadd.s32 s7, s9  }
0x87: {  	[tilespmem:s23], [sflag:$0x5] =	stream.linear.gather [hbm4b:s9+s4], $0x80, $0x38;
	[tilespmem:$0x15180] =	vst v63  }
0x88: {  	_ =	swait.ge [sflag:s10], $0x4000  }
0x89: {  	s26 =	rddreg [dreg:$0x5]  }
0x8a: {  	s9 =	sadd.s32 s26, s21  }
0x8b: {  	s31 =	simm.s32 $0x1180;
	[sflag:s10] =	ssyncset.done $0x0;
	s9 =	sshll.u32 s9, $0x4  }
0x8c: {  	s25 =	simm.s32 $0x7;
	[sflag:s10] =	ssyncadd.s32 $0xFFFFC000;
	s9 =	sadd.s32 s2, s9  }
0x8d: {  	[hbm4b:s9+s4] =	stream.linear.scatter [tilespmem:s31], [sflag:$0x10], $0x4000, $0x38;
	[tilespmem:$0x15180] =	vst v63  }
0x8e: {  	_ =	swait.ge [sflag:s25], $0x4000  }
0x8f: {  	s26 =	simm.s32 $0xF80;
	[sflag:s25] =	ssyncset.done $0x0  }
0x90: {  	s9 =	simm.s32 @!p1 $0x14;
	[sflag:s25] =	ssyncadd.s32 $0xFFFFC000;
	s25 =	simm.s32 $0x5180  }
0x91: {  	[tilespmem:s25], [sflag:$0xC] =	stream.indirect.gather.add.f32 [spmem:s3], $0x80, s26, s12, $0xb8;
	[tilespmem:$0x15180] =	vst v63  }
0x92: {  	_ =	swait.ge @!p1 [sflag:s9], $0x4000  }
0x93: {  	[sflag:s9] =	ssyncset.done @!p1 $0x0  }
0x94: {  	[sflag:s9] =	ssyncadd.s32 @!p1 $0xFFFFC000  }
0x95: {  	_ =	swait.ge [sflag:s0], $0x80  }
0x96: {  	[sflag:s0] =	ssyncset.done $0x0  }
0x97: {  	[sflag:s0] =	ssyncadd.s32 $0xFFFFFF80  }
0x98: {  	_ =	swait.ge [sflag:s0], $0x80  }
0x99: {  	p1 =	seq.s32 s22, $0x6180;
	[sflag:s0] =	ssyncset.done $0x0;
	s9 =	rddreg [dreg:$0x11]  }
0x9a: {  	[sflag:s0] =	ssyncadd.s32 $0xFFFFFF80;
	s9 =	sadd.s32 @!p1 s21, s9  }
0x9b: {  	[tilespmem:s14], [sflag:$0xA] =	stream.indirect.gather [hbm4b:s1+s12], $0x80, s15, s12, $0xb8;
	[tilespmem:$0x15180] =	vst v63  }
0x9c: {  	s9 =	sshrl.u32 @!p1 s9, $0x3  }
0x9d: {  	s26 =	simm.s32 @!p1 $0x0;
	s15 =	simm.s32 @!p1 $0xC80;
	s10 =	sadd.s32 @!p1 s6, s9  }
0x9e: {  	[tilespmem:s15], [sflag:$0x1] =	stream.linear.gather @!p1 [hbm4b:s10+s26], $0x80, $0x38;
	[tilespmem:$0x15180] =	vst v63  }
0x9f: {  	s9 =	sadd.s32 @!p1 s7, s9;
	s10 =	simm.s32 @!p1 $0xF00  }
0xa0: {  	[tilespmem:s10], [sflag:$0x1] =	stream.linear.gather @!p1 [hbm4b:s9+s26], $0x80, $0x38;
	[tilespmem:$0x15180] =	vst v63  }
0xa1: {  	_ =	swait.ge [sflag:s8], $0x4000  }
0xa2: {  	s31 =	rddreg [dreg:$0x12]  }
0xa3: {  	s9 =	sadd.s32 s21, s31  }
0xa4: {  	[sflag:s8] =	ssyncset.done $0x0;
	s9 =	sshll.u32 s9, $0x4  }
0xa5: {  	[sflag:s8] =	ssyncadd.s32 $0xFFFFC000;
	s9 =	sadd.s32 s2, s9  }
0xa6: {  	[hbm4b:s9+s4] =	stream.linear.scatter [tilespmem:s25], [sflag:$0x11], $0x4000, $0x38;
	[tilespmem:$0x15180] =	vst v63  }
0xa7: {  	_ =	swait.ge [sflag:s13], $0x4000  }
0xa8: {  	[sflag:s13] =	ssyncset.done $0x0  }
0xa9: {  	s10 =	simm.s32 $0x1000;
	s9 =	simm.s32 @!p1 $0x10;
	[sflag:s13] =	ssyncadd.s32 $0xFFFFC000  }
0xaa: {  	[tilespmem:s24], [sflag:$0xD] =	stream.indirect.gather.add.f32 [spmem:s3], $0x80, s10, s12, $0xb8;
	[tilespmem:$0x15180] =	vst v63  }
0xab: {  	_ =	swait.ge @!p1 [sflag:s9], $0x4000  }
0xac: {  	[sflag:s9] =	ssyncset.done @!p1 $0x0  }
0xad: {  	[sflag:s9] =	ssyncadd.s32 @!p1 $0xFFFFC000;
	s9 =	simm.s32 @!p1 $0x1  }
0xae: {  	_ =	swait.ge @!p1 [sflag:s9], $0x80  }
0xaf: {  	[sflag:s9] =	ssyncset.done @!p1 $0x0  }
0xb0: {  	[sflag:s9] =	ssyncadd.s32 @!p1 $0xFFFFFF80  }
0xb1: {  	_ =	swait.ge @!p1 [sflag:s9], $0x80  }
0xb2: {  	[sflag:s9] =	ssyncset.done @!p1 $0x0  }
0xb3: {  	s10 =	simm.s32 @!p1 $0x1180;
	[sflag:s9] =	ssyncadd.s32 @!p1 $0xFFFFFF80;
	s9 =	simm.s32 @!p1 $0x80  }
0xb4: {  	[tilespmem:s10], [sflag:$0x6] =	stream.indirect.gather @!p1 [hbm4b:s1+s9], $0x80, s15, s9, $0xb8;
	[tilespmem:$0x15180] =	vst v63  }
0xb5: {  	s10 =	rddreg [dreg:$0x13]  }
0xb6: {  	s10 =	sadd.s32 @!p1 s21, s10  }
0xb7: {  	s10 =	sshrl.u32 @!p1 s10, $0x3  }
0xb8: {  	s31 =	simm.s32 @!p1 $0xD00;
	s15 =	sadd.s32 @!p1 s6, s10  }
0xb9: {  	[tilespmem:s31], [sflag:$0x2] =	stream.linear.gather @!p1 [hbm4b:s15+s26], $0x80, $0x38;
	[tilespmem:$0x15180] =	vst v63  }
0xba: {  	s10 =	sadd.s32 @!p1 s7, s10;
	s15 =	simm.s32 @!p1 $0xF80  }
0xbb: {  	[tilespmem:s15], [sflag:$0x2] =	stream.linear.gather @!p1 [hbm4b:s10+s26], $0x80, $0x38;
	[tilespmem:$0x15180] =	vst v63  }
0xbc: {  	_ =	swait.ge [sflag:s5], $0x4000  }
0xbd: {  	s15 =	rddreg [dreg:$0x14]  }
0xbe: {  	s10 =	sadd.s32 s21, s15  }
0xbf: {  	[sflag:s5] =	ssyncset.done $0x0;
	s10 =	sshll.u32 s10, $0x4  }
0xc0: {  	[sflag:s5] =	ssyncadd.s32 $0xFFFFC000;
	s10 =	sadd.s32 s2, s10  }
0xc1: {  	[hbm4b:s10+s4] =	stream.linear.scatter [tilespmem:s24], [sflag:$0x12], $0x4000, $0x38;
	[tilespmem:$0x15180] =	vst v63  }
0xc2: {  	_ =	swait.ge [sflag:s17], $0x4000  }
0xc3: {  	[sflag:s17] =	ssyncset.done $0x0  }
0xc4: {  	s15 =	simm.s32 $0x1080;
	s10 =	simm.s32 @!p1 $0x11;
	[sflag:s17] =	ssyncadd.s32 $0xFFFFC000  }
0xc5: {  	[tilespmem:s11], [sflag:$0xE] =	stream.indirect.gather.add.f32 [spmem:s3], $0x80, s15, s12, $0xb8;
	[tilespmem:$0x15180] =	vst v63  }
0xc6: {  	_ =	swait.ge @!p1 [sflag:s10], $0x4000  }
0xc7: {  	[sflag:s10] =	ssyncset.done @!p1 $0x0  }
0xc8: {  	[sflag:s10] =	ssyncadd.s32 @!p1 $0xFFFFC000;
	s10 =	simm.s32 @!p1 $0x2  }
0xc9: {  	_ =	swait.ge @!p1 [sflag:s10], $0x80  }
0xca: {  	[sflag:s10] =	ssyncset.done @!p1 $0x0  }
0xcb: {  	[sflag:s10] =	ssyncadd.s32 @!p1 $0xFFFFFF80  }
0xcc: {  	_ =	swait.ge @!p1 [sflag:s10], $0x80  }
0xcd: {  	[sflag:s10] =	ssyncset.done @!p1 $0x0  }
0xce: {  	[sflag:s10] =	ssyncadd.s32 @!p1 $0xFFFFFF80;
	s10 =	simm.s32 @!p1 $0x5180  }
0xcf: {  	[tilespmem:s10], [sflag:$0x7] =	stream.indirect.gather @!p1 [hbm4b:s1+s9], $0x80, s31, s9, $0xb8;
	[tilespmem:$0x15180] =	vst v63  }
0xd0: {  	s9 =	rddreg [dreg:$0x18]  }
0xd1: {  	s9 =	sadd.s32 @!p1 s21, s9  }
0xd2: {  	s9 =	sshrl.u32 @!p1 s9, $0x3  }
0xd3: {  	s15 =	simm.s32 @!p1 $0xD80;
	s10 =	sadd.s32 @!p1 s6, s9  }
0xd4: {  	[tilespmem:s15], [sflag:$0x3] =	stream.linear.gather @!p1 [hbm4b:s10+s26], $0x80, $0x38;
	[tilespmem:$0x15180] =	vst v63  }
0xd5: {  	s31 =	rddreg [dreg:$0xf];
	s9 =	sadd.s32 @!p1 s7, s9;
	s10 =	simm.s32 @!p1 $0x1000  }
0xd6: {  	[tilespmem:s10], [sflag:$0x3] =	stream.linear.gather @!p1 [hbm4b:s9+s26], $0x80, $0x38;
	[tilespmem:$0x15180] =	vst v63  }
0xd7: {  	s9 =	sadd.s32 s21, s31;
	_ =	swait.ge [sflag:s18], $0x4000  }
0xd8: {  	s9 =	sshll.u32 s9, $0x4;
	[sflag:s18] =	ssyncset.done $0x0  }
0xd9: {  	s9 =	sadd.s32 s2, s9;
	[sflag:s18] =	ssyncadd.s32 $0xFFFFC000  }
0xda: {  	[hbm4b:s9+s4] =	stream.linear.scatter [tilespmem:s11], [sflag:$0x13], $0x4000, $0x38;
	[tilespmem:$0x15180] =	vst v63  }
.Ltmp2:
0xdb: {  	_ = 	snop;
	(pc) =	sbr.rel @p1 .LBB2_4-.Ltmp2, $4  }
0xdc: {  	_ =	swait.ge [sflag:s19], $0x4000  }
0xdd: {  	s30 =	simm.s32 $0x5180;
	[sflag:s19] =	ssyncset.done $0x0  }
0xde: {  	s25 =	simm.s32 $0xE00;
	s10 =	simm.s32 $0x11180;
	[sflag:s19] =	ssyncadd.s32 $0xFFFFC000  }
0xdf: {  	[tilespmem:s14], [sflag:$0xF] =	stream.indirect.gather.add.f32 [spmem:s3], $0x80, s23, s12, $0xb8;
	[tilespmem:$0x15180] =	vst v63  }
0xe0: {  	_ =	swait.ge [sflag:s20], $0x4000  }
0xe1: {  	[sflag:s20] =	ssyncset.done $0x0  }
0xe2: {  	[sflag:s20] =	ssyncadd.s32 $0xFFFFC000  }
0xe3: {  	_ =	swait.ge [sflag:s16], $0x80  }
0xe4: {  	[sflag:s16] =	ssyncset.done $0x0  }
0xe5: {  	[sflag:s16] =	ssyncadd.s32 $0xFFFFFF80  }
0xe6: {  	_ =	swait.ge [sflag:s16], $0x80  }
0xe7: {  	[sflag:s16] =	ssyncset.done $0x0  }
0xe8: {  	s9 =	simm.s32 $0xD80;
	s26 =	rddreg [dreg:$0x19];
	[sflag:s16] =	ssyncadd.s32 $0xFFFFFF80  }
0xe9: {  	[tilespmem:s24], [sflag:$0x8] =	stream.indirect.gather [hbm4b:s1+s12], $0x80, s9, s12, $0xb8;
	[tilespmem:$0x15180] =	vst v63  }
0xea: {  	s9 =	sadd.s32 s21, s26  }
.Ltmp3:
0xeb: {  	s9 =	sshrl.u32 s9, $0x3;
	(pc) =	sbr.rel .LBB2_2-.Ltmp3, $4  }
0xec: {  	s30 =	simm.s32 $0x1080;
	s22 =	sadd.s32 $0x280, s22;
	s10 =	sadd.s32 s6, s9  }
0xed: {  	[tilespmem:s25], [sflag:$0x4] =	stream.linear.gather [hbm4b:s10+s4], $0x80, $0x38;
	[tilespmem:$0x15180] =	vst v63  }
0xee: {  	s28 =	sadd.s32 $0x2800, s28;
	s31 =	simm.s32 $0xE00;
	s9 =	sadd.s32 s7, s9  }
0xef: {  	[tilespmem:s30], [sflag:$0x4] =	stream.linear.gather [hbm4b:s9+s4], $0x80, $0x38;
	[tilespmem:$0x15180] =	vst v63  }
.LBB2_5:
0xf0: {  	_ =	sfence.sel $0x180000  }
0xf1: {  	[bflag:$0x0] =	sbarrier.arrive $0xFFFF  }
0xf2: {  	_ =	strace $0x90000047  }
0xf3: {  	[bflag:$0x2] =	sbarrier.arrive $0xFFFF  }
0xf4: {  	s0 =	rddreg [dreg:$0x4]  }
0xf5: {  	s0 =	sadd.s32 @!p0 $0x100000, s0  }
0xf6: {  	[sflag:s0] =	ssyncadd.tile.s32 @!p0 $0x1;
	_ =	shalt  }
.Lfunc_end2:
_tile_overlayer_lowered:
.L_overlay_start_2:
0xf7: {  	(tag) =	ssettag $0x2  }
0xf8: {  	s0 =	rddreg [dreg:$0x0];
	s2 =	stileid.u32  }
0xf9: {  	s1 =	rddreg [dreg:$0x1];
	p0 =	sne.s32 s2, $0x0  }
0xfa: {  	s3 =	rddreg [dreg:$0x2];
	[bflag:$0x3] =	sbarrier.arrive $0xFFFF;
	s2 =	simm.s32 @!p0 $0x1C15  }
0xfb: {  	[timem:s3], [sflag:s2] =	dma.local @!p0 [hbm:s0], s1  }
0xfc: {  	s0 =	simm.s32 @!p0 $0x15  }
0xfd: {  	_ =	swait.ge @!p0 [sflag:s0], s1  }
0xfe: {  	s1 =	ssub.s32 @!p0 $0x0, s1;
	[sflag:s0] =	ssyncset.done @!p0 $0x0  }
0xff: {  	[sflag:s0] =	ssyncadd.s32 @!p0 s1  }
0x100: {  	[bflag:$0x3] =	sbarrier.arrive $0xFFFF  }
0x101: {  	_ =	shalt  }

</sc_bundles>
